<compile_context>
chip_gen: v7x
topology: tpu7x:2x2x1
jax: 0.10.2.dev20260603
libtpu: 0.0.44.dev20260713+nightly
codegen_flags: <defaults>
</compile_context>

<pallas_src>
import functools

import jax
import jax.numpy as jnp
from jax import lax
from jax.experimental import pallas as pl
from jax.experimental.pallas import tpu as pltpu
from jax.experimental.pallas import tpu_sc as plsc

D_MODEL = 768
D_SCORE = 192
D_DETAIL = 384
K = 32
B = 4
S = 8192
BS = 4096

_KEY_NEG_INF = -2139095041
_INT_MIN = -2147483648
_INV_SQRT2 = 0.7071067811865476


def _gelu(x):
    return 0.5 * x * (1.0 + lax.erf(x * _INV_SQRT2))


def _round_bf16(x):
    bits = lax.bitcast_convert_type(x, jnp.uint32)
    lsb = (bits >> 16) & jnp.uint32(1)
    add = jnp.uint32(0x7FFF) + lsb
    out = (bits + add) & jnp.uint32(0xFFFF0000)
    return lax.bitcast_convert_type(out, jnp.float32)


_SC = 1024


def _score_body(x_ref, w1_ref, b1_ref, w2_ref, b2_ref, key_ref):
    x = x_ref[...]
    h = jnp.dot(x, w1_ref[...], preferred_element_type=jnp.float32)
    h = _gelu(h + b1_ref[...])
    hb = _round_bf16(h)
    wb = _round_bf16(w2_ref[...])
    rows = [
        lax.dot_general(wb, hb[c * _SC:(c + 1) * _SC, :],
                        (((1,), (1,)), ((), ())),
                        preferred_element_type=jnp.float32)
        for c in range(BS // _SC)
    ]
    s = jnp.concatenate(rows, axis=0) + b2_ref[...]
    bits = lax.bitcast_convert_type(s, jnp.int32)
    key = bits ^ ((bits >> 31) & jnp.int32(0x7FFFFFFF))
    key_ref[...] = key.reshape(1, BS // _SC, _SC)


def _topk_body(sk_ref, am_ref, fidx_ref, msk_ref):
    sh = (B, S // _SC, _SC)
    fiota = (lax.broadcasted_iota(jnp.int32, sh, 1) * _SC +
             lax.broadcasted_iota(jnp.int32, sh, 2))
    boffs = lax.broadcasted_iota(jnp.int32, (B, 1), 0) * S
    kb = sk_ref[...].reshape(sh)
    kb = jnp.where(am_ref[...].reshape(sh) == 0, jnp.int32(_KEY_NEG_INF),
                   kb)
    for k in range(K):
        m = jnp.max(kb, axis=(1, 2), keepdims=True)
        cand = jnp.where(kb == m, fiota, jnp.int32(S))
        idx = jnp.min(cand, axis=(1, 2), keepdims=True)
        fidx_ref[:, k:k + 1] = idx.reshape(B, 1) + boffs
        msk_ref[:, k:k + 1] = (m > _KEY_NEG_INF).astype(
            jnp.float32).reshape(B, 1)
        kb = jnp.where(fiota == idx, jnp.int32(_INT_MIN), kb)


def _mlp_body(x_ref, w1_ref, b1_ref, w2_ref, b2_ref, g_ref, be_ref, o_ref):
    x = x_ref[...]
    h = jnp.dot(x, w1_ref[...], preferred_element_type=jnp.float32)
    h = _gelu(h + b1_ref[...])
    d = jnp.dot(h, w2_ref[...], preferred_element_type=jnp.float32)
    d = d + b2_ref[...]
    mu = jnp.mean(d, axis=1, keepdims=True)
    var = jnp.mean((d - mu) * (d - mu), axis=1, keepdims=True)
    o_ref[...] = (d - mu) / jnp.sqrt(var + 1e-5) * g_ref[...] + be_ref[...]


def _sc_gather(table, fidx):
    info = plsc.get_sparse_core_info()
    nc = info.num_cores
    rows_per_worker = 8
    mesh = plsc.VectorSubcoreMesh(core_axis_name="c", subcore_axis_name="s")

    @functools.partial(
        pl.kernel,
        mesh=mesh,
        out_type=jax.ShapeDtypeStruct((B * K, D_MODEL), jnp.float32),
        scratch_types=[
            pltpu.VMEM((rows_per_worker,), jnp.int32),
            pltpu.VMEM((rows_per_worker, D_MODEL), jnp.float32),
            pltpu.SemaphoreType.DMA,
        ],
    )
    def gather_kernel(table_hbm, idx_hbm, out_hbm, idx_v, rows_v, sem):
        wid = lax.axis_index("s") * nc + lax.axis_index("c")

        @pl.when(wid < (B * K) // rows_per_worker)
        def _():
            base = wid * rows_per_worker
            pltpu.sync_copy(
                idx_hbm.at[wid // (K // rows_per_worker),
                           pl.ds((wid % (K // rows_per_worker)) *
                                 rows_per_worker, rows_per_worker)], idx_v)
            pltpu.async_copy(table_hbm.at[idx_v], rows_v, sem).wait()
            pltpu.sync_copy(rows_v, out_hbm.at[pl.ds(base, rows_per_worker)])

    return gather_kernel(table, fidx)


def kernel(hidden_states, attention_mask, Ws1, bs1, Ws2, bs2, Wp1, bp1, Wp2,
           bp2, gamma, beta):
    hs_flat = hidden_states.reshape(B * S, D_MODEL)

    n_blocks = (B * S) // BS
    keys = pl.pallas_call(
        _score_body,
        grid=(n_blocks,),
        in_specs=[
            pl.BlockSpec((BS, D_MODEL), lambda i: (i, 0)),
            pl.BlockSpec((D_MODEL, D_SCORE), lambda i: (0, 0)),
            pl.BlockSpec((1, D_SCORE), lambda i: (0, 0)),
            pl.BlockSpec((1, D_SCORE), lambda i: (0, 0)),
            pl.BlockSpec((1, 1), lambda i: (0, 0)),
        ],
        out_specs=pl.BlockSpec((1, BS // _SC, _SC), lambda i: (i, 0, 0)),
        out_shape=jax.ShapeDtypeStruct(
            (n_blocks, BS // _SC, _SC), jnp.int32),
        compiler_params=pltpu.CompilerParams(
            dimension_semantics=("parallel",)),
    )(hs_flat, Ws1, bs1.reshape(1, D_SCORE), Ws2.reshape(1, D_SCORE),
      bs2.reshape(1, 1))

    fidx, detail_mask = pl.pallas_call(
        _topk_body,
        out_shape=[
            jax.ShapeDtypeStruct((B, K), jnp.int32),
            jax.ShapeDtypeStruct((B, K), jnp.float32),
        ],
    )(keys, attention_mask)

    selected = _sc_gather(hs_flat, fidx)

    d = pl.pallas_call(
        _mlp_body,
        out_shape=jax.ShapeDtypeStruct((B * K, D_DETAIL), jnp.float32),
    )(selected, Wp1, bp1.reshape(1, D_DETAIL), Wp2, bp2.reshape(1, D_DETAIL),
      gamma.reshape(1, D_DETAIL), beta.reshape(1, D_DETAIL))

    return d.reshape(B, K, D_DETAIL), detail_mask

# --- scband reference (transcript-rebuilt; emitter-appended) ---
"""Pipeline reference for scband-detail-encoder-6640019440245 (READ-ONLY COPY).

The authoritative reference and input builder live on the scoring server;
editing this copy changes nothing except your own understanding.
"""

import jax, jax.numpy as jnp
import numpy as np

D_MODEL = 768
D_DETAIL = 384
MAX_DETAIL = 32
B, S = 4, 8192


def setup_inputs(seed: int = 0) -> dict:
    key = jax.random.key(seed)
    ks = jax.random.split(key, 8)
    hidden_states = jax.random.normal(ks[0], (B, S, D_MODEL), dtype=jnp.float32)
    attention_mask = jax.random.randint(ks[1], (B, S), 0, 2).astype(jnp.int32)
    sc = 0.02
    Ws1 = (jax.random.normal(ks[2], (D_MODEL, D_MODEL // 4)) * sc).astype(jnp.float32)
    bs1 = jnp.zeros((D_MODEL // 4,), dtype=jnp.float32)
    Ws2 = (jax.random.normal(ks[3], (D_MODEL // 4, 1)) * sc).astype(jnp.float32)
    bs2 = jnp.zeros((1,), dtype=jnp.float32)
    Wp1 = (jax.random.normal(ks[4], (D_MODEL, D_DETAIL)) * sc).astype(jnp.float32)
    bp1 = jnp.zeros((D_DETAIL,), dtype=jnp.float32)
    Wp2 = (jax.random.normal(ks[5], (D_DETAIL, D_DETAIL)) * sc).astype(jnp.float32)
    bp2 = jnp.zeros((D_DETAIL,), dtype=jnp.float32)
    gamma = jnp.ones((D_DETAIL,), dtype=jnp.float32)
    beta = jnp.zeros((D_DETAIL,), dtype=jnp.float32)
    return {
        'hidden_states': hidden_states, 'attention_mask': attention_mask,
        'Ws1': Ws1, 'bs1': bs1, 'Ws2': Ws2, 'bs2': bs2,
        'Wp1': Wp1, 'bp1': bp1, 'Wp2': Wp2, 'bp2': bp2,
        'gamma': gamma, 'beta': beta,
    }


def reference(hidden_states, attention_mask, Ws1, bs1, Ws2, bs2, Wp1, bp1, Wp2, bp2, gamma, beta):
    # scorer: Linear -> GELU -> Linear -> squeeze
    s = jax.nn.gelu(hidden_states @ Ws1 + bs1, approximate=False)
    scores = jnp.squeeze(s @ Ws2 + bs2, axis=-1)  # [B, S]
    scores = jnp.where(attention_mask == 0, -jnp.inf, scores)
    num_select = min(MAX_DETAIL, S)
    top_scores, top_indices = jax.lax.top_k(scores, num_select)  # [B, k]
    # gather selected hidden states: [B, k, d_model]
    selected = jnp.take_along_axis(hidden_states, top_indices[..., None], axis=1)
    # proj: Linear -> GELU -> (Dropout eval=identity) -> Linear
    d = jax.nn.gelu(selected @ Wp1 + bp1, approximate=False)
    d = d @ Wp2 + bp2
    # LayerNorm
    mu = jnp.mean(d, axis=-1, keepdims=True)
    var = jnp.var(d, axis=-1, keepdims=True)
    d = (d - mu) / jnp.sqrt(var + 1e-5) * gamma + beta
    detail_mask = (top_scores > -jnp.inf).astype(jnp.float32)
    return d, detail_mask

if __name__ == "__main__":
    import jax
    _d = setup_inputs()
    print(jax.jit(kernel)(*tuple(_d.values())))

</pallas_src>

<mosaic_0001>
#map = affine_map<(d0, d1) -> (0, 0)>
module attributes {stable_mosaic.version = 14 : i64} {
  func.func @gather_kernel(%arg0: i32, %arg1: i32, %arg2: memref<32768x768xf32, #tpu.memory_space<hbm>>, %arg3: memref<4x32xi32, #tpu.memory_space<hbm>>, %arg4: memref<128x768xf32, #tpu.memory_space<hbm>>, %arg5: memref<8xi32, #tpu.memory_space<vmem>>, %arg6: memref<8x768xf32, #tpu.memory_space<vmem>>, %arg7: memref<!tpu.dma_semaphore, #tpu.memory_space<semaphore_mem>>) attributes {dimension_semantics = [#tpu.dimension_semantics<core_parallel>, #tpu.dimension_semantics<subcore_parallel>], iteration_bounds = array<i64: 2, 16>, scalar_prefetch = 0 : i64, scratch_operands = 3 : i64, tpu.core_type = #tpu.core_type<sc_vector_subcore>, window_params = [{transform_indices = #map}, {transform_indices = #map}, {transform_indices = #map}]} {
    %mul3A = arith.constant 2 : i32
    %mul3A_0 = arith.muli %arg1, %mul3A : i32
    %add3A = arith.addi %mul3A_0, %arg0 : i32
    %lt3A = arith.constant 16 : i32
    %lt3A_1 = arith.cmpi slt, %add3A, %lt3A : i32
    %convert_element_type3A = arith.extui %lt3A_1 : i1 to i32
    %cond3A = arith.constant 0 : i32
    %cond3A_2 = arith.cmpi ne, %convert_element_type3A, %cond3A : i32
    scf.if %cond3A_2 {
      %mul3A_3 = arith.constant 8 : i32
      %mul3A_4 = arith.muli %add3A, %mul3A_3 : i32
      %jit3A = arith.constant 4 : i32
      %div3A = arith.divsi %add3A, %jit3A : i32
      %sign3A = arith.constant 0 : i32
      %sign3A_5 = arith.cmpi sgt, %add3A, %sign3A : i32
      %sign3A_6 = arith.extui %sign3A_5 : i1 to i32
      %sign3A_7 = arith.constant 0 : i32
      %sign3A_8 = arith.cmpi slt, %add3A, %sign3A_7 : i32
      %sign3A_9 = arith.extui %sign3A_8 : i1 to i32
      %sign3A_10 = arith.subi %sign3A_6, %sign3A_9 : i32
      %sign3A_11 = arith.constant 0 : i32
      %sign3A_12 = arith.cmpi sgt, %jit3A, %sign3A_11 : i32
      %sign3A_13 = arith.extui %sign3A_12 : i1 to i32
      %sign3A_14 = arith.constant 0 : i32
      %sign3A_15 = arith.cmpi slt, %jit3A, %sign3A_14 : i32
      %sign3A_16 = arith.extui %sign3A_15 : i1 to i32
      %sign3A_17 = arith.subi %sign3A_13, %sign3A_16 : i32
      %ne3A = arith.cmpi ne, %sign3A_10, %sign3A_17 : i32
      %rem3A = arith.remsi %add3A, %jit3A : i32
      %ne3A_18 = arith.constant 0 : i32
      %ne3A_19 = arith.cmpi ne, %rem3A, %ne3A_18 : i32
      %and3A = arith.andi %ne3A, %ne3A_19 : i1
      %sub3A = arith.constant 1 : i32
      %sub3A_20 = arith.subi %div3A, %sub3A : i32
      %select_n3A = arith.select %and3A, %sub3A_20, %div3A : i32
      %jit3A_21 = arith.constant 4 : i32
      %eq3A = arith.constant 0 : i32
      %eq3A_22 = arith.cmpi eq, %jit3A_21, %eq3A : i32
      %jit3A_23 = arith.constant 1 : i32
      %select_n3A_24 = arith.select %eq3A_22, %jit3A_23, %jit3A_21 : i32
      %rem3A_25 = arith.remsi %add3A, %select_n3A_24 : i32
      %ne3A_26 = arith.constant 0 : i32
      %ne3A_27 = arith.cmpi ne, %rem3A_25, %ne3A_26 : i32
      %lt3A_28 = arith.constant 0 : i32
      %lt3A_29 = arith.cmpi slt, %rem3A_25, %lt3A_28 : i32
      %lt3A_30 = arith.constant 0 : i32
      %lt3A_31 = arith.cmpi slt, %select_n3A_24, %lt3A_30 : i32
      %ne3A_32 = arith.xori %lt3A_29, %lt3A_31 : i1
      %and3A_33 = arith.andi %ne3A_32, %ne3A_27 : i1
      %add3A_34 = arith.addi %rem3A_25, %select_n3A_24 : i32
      %select_n3A_35 = arith.select %and3A_33, %add3A_34, %rem3A_25 : i32
      %mul3A_36 = arith.constant 8 : i32
      %mul3A_37 = arith.muli %select_n3A_35, %mul3A_36 : i32
      "tpu.region"() ({
        %run_scoped3A = tpu.sem_alloc : memref<!tpu.dma_semaphore, #tpu.memory_space<semaphore_mem>>
        %dma_start3A_42 = tpu.memref_slice %arg3[%select_n3A, %mul3A_37] : memref<4x32xi32, #tpu.memory_space<hbm>> -> memref<1x8xi32, #tpu.memory_space<hbm>>
        %dma_start3A_43 = tpu.memref_squeeze %dma_start3A_42 : memref<1x8xi32, #tpu.memory_space<hbm>> -> memref<8xi32, #tpu.memory_space<hbm>>
        %dma_start3A_44 = tpu.memref_slice %arg3[%select_n3A, %mul3A_37] : memref<4x32xi32, #tpu.memory_space<hbm>> -> memref<1x8xi32, #tpu.memory_space<hbm>>
        %dma_start3A_45 = tpu.memref_squeeze %dma_start3A_44 : memref<1x8xi32, #tpu.memory_space<hbm>> -> memref<8xi32, #tpu.memory_space<hbm>>
        tpu.enqueue_dma source(%dma_start3A_45 : memref<8xi32, #tpu.memory_space<hbm>>) target(%arg5 : memref<8xi32, #tpu.memory_space<vmem>>) target_semaphore(%run_scoped3A : memref<!tpu.dma_semaphore, #tpu.memory_space<semaphore_mem>>)
        %dma_wait3A_46 = tpu.memref_slice %arg3[%select_n3A, %mul3A_37] : memref<4x32xi32, #tpu.memory_space<hbm>> -> memref<1x8xi32, #tpu.memory_space<hbm>>
        %dma_wait3A_47 = tpu.memref_squeeze %dma_wait3A_46 : memref<1x8xi32, #tpu.memory_space<hbm>> -> memref<8xi32, #tpu.memory_space<hbm>>
        %dma_wait3A_48 = tpu.memref_slice %arg3[%select_n3A, %mul3A_37] : memref<4x32xi32, #tpu.memory_space<hbm>> -> memref<1x8xi32, #tpu.memory_space<hbm>>
        %dma_wait3A_49 = tpu.memref_squeeze %dma_wait3A_48 : memref<1x8xi32, #tpu.memory_space<hbm>> -> memref<8xi32, #tpu.memory_space<hbm>>
        tpu.wait_dma2 semaphore(%run_scoped3A : memref<!tpu.dma_semaphore, #tpu.memory_space<semaphore_mem>>) src(%dma_wait3A_49 : memref<8xi32, #tpu.memory_space<hbm>>) dst(%arg5 : memref<8xi32, #tpu.memory_space<vmem>>)
        tpu.yield
      }) : () -> ()
      %dma_start3A = arith.constant 0 : i32
      %dma_start3A_38 = arith.constant 0 : i32
      %dma_start3A_39 = tpu.memref_slice %arg2[%dma_start3A, %dma_start3A_38] : memref<32768x768xf32, #tpu.memory_space<hbm>> -> memref<32768x768xf32, #tpu.memory_space<hbm>>
      tpu.enqueue_indirect_dma source(%dma_start3A_39 : memref<32768x768xf32, #tpu.memory_space<hbm>>) target(%arg6 : memref<8x768xf32, #tpu.memory_space<vmem>>) offsets(%arg5 : memref<8xi32, #tpu.memory_space<vmem>>) semaphore(%arg7 : memref<!tpu.dma_semaphore, #tpu.memory_space<semaphore_mem>>)
      %dma_wait3A = arith.constant 0 : i32
      %dma_wait3A_40 = arith.constant 0 : i32
      %dma_wait3A_41 = tpu.memref_slice %arg2[%dma_wait3A, %dma_wait3A_40] : memref<32768x768xf32, #tpu.memory_space<hbm>> -> memref<32768x768xf32, #tpu.memory_space<hbm>>
      tpu.wait_indirect_dma semaphore(%arg7 : memref<!tpu.dma_semaphore, #tpu.memory_space<semaphore_mem>>) src(%dma_wait3A_41 : memref<32768x768xf32, #tpu.memory_space<hbm>>) dst(%arg6 : memref<8x768xf32, #tpu.memory_space<vmem>>)
      "tpu.region"() ({
        %run_scoped3A = tpu.sem_alloc : memref<!tpu.dma_semaphore, #tpu.memory_space<semaphore_mem>>
        %dma_start3A_42 = arith.constant 0 : i32
        %dma_start3A_43 = tpu.memref_slice %arg4[%mul3A_4, %dma_start3A_42] : memref<128x768xf32, #tpu.memory_space<hbm>> -> memref<8x768xf32, #tpu.memory_space<hbm>>
        %dma_start3A_44 = arith.constant 0 : i32
        %dma_start3A_45 = tpu.memref_slice %arg4[%mul3A_4, %dma_start3A_44] : memref<128x768xf32, #tpu.memory_space<hbm>> -> memref<8x768xf32, #tpu.memory_space<hbm>>
        tpu.enqueue_dma source(%arg6 : memref<8x768xf32, #tpu.memory_space<vmem>>) target(%dma_start3A_45 : memref<8x768xf32, #tpu.memory_space<hbm>>) target_semaphore(%run_scoped3A : memref<!tpu.dma_semaphore, #tpu.memory_space<semaphore_mem>>)
        %dma_wait3A_46 = arith.constant 0 : i32
        %dma_wait3A_47 = tpu.memref_slice %arg4[%mul3A_4, %dma_wait3A_46] : memref<128x768xf32, #tpu.memory_space<hbm>> -> memref<8x768xf32, #tpu.memory_space<hbm>>
        %dma_wait3A_48 = arith.constant 0 : i32
        %dma_wait3A_49 = tpu.memref_slice %arg4[%mul3A_4, %dma_wait3A_48] : memref<128x768xf32, #tpu.memory_space<hbm>> -> memref<8x768xf32, #tpu.memory_space<hbm>>
        tpu.wait_dma2 semaphore(%run_scoped3A : memref<!tpu.dma_semaphore, #tpu.memory_space<semaphore_mem>>) src(%arg6 : memref<8x768xf32, #tpu.memory_space<vmem>>) dst(%dma_wait3A_49 : memref<8x768xf32, #tpu.memory_space<hbm>>)
        tpu.yield
      }) : () -> ()
    } else {
    }
    return
  }
}

module attributes {stable_mosaic.version = 14 : i64} {
  func.func @_score_body(%arg0: i32, %arg1: memref<4096x768xf32, #tpu.memory_space<vmem>>, %arg2: memref<768x192xf32, #tpu.memory_space<vmem>>, %arg3: memref<1x192xf32, #tpu.memory_space<vmem>>, %arg4: memref<1x192xf32, #tpu.memory_space<vmem>>, %arg5: memref<1x1xf32, #tpu.memory_space<vmem>>, %arg6: memref<1x4x1024xi32, #tpu.memory_space<vmem>>) attributes {dimension_semantics = [#tpu.dimension_semantics<parallel>], iteration_bounds = array<i64: 8>, scalar_prefetch = 0 : i64, scratch_operands = 0 : i64, tpu.core_type = #tpu.core_type<tc>, window_params = [{transform_indices = @transform_0, window_bounds = array<i64: 4096, 768>}, {pipeline_mode = #tpu.pipeline_mode<synchronous>, transform_indices = @transform_1, window_bounds = array<i64: 768, 192>}, {pipeline_mode = #tpu.pipeline_mode<synchronous>, transform_indices = @transform_2, window_bounds = array<i64: 1, 192>}, {pipeline_mode = #tpu.pipeline_mode<synchronous>, transform_indices = @transform_3, window_bounds = array<i64: 1, 192>}, {pipeline_mode = #tpu.pipeline_mode<synchronous>, transform_indices = @transform_4, window_bounds = array<i64: 1, 1>}, {transform_indices = @transform_5, window_bounds = array<i64: 1, 4, 1024>}]} {
    %get3A = arith.constant 0 : index
    %get3A_0 = arith.constant 0 : index
    %get3A_1 = vector.load %arg1[%get3A, %get3A_0] : memref<4096x768xf32, #tpu.memory_space<vmem>>, vector<4096x768xf32>
    %get3A_2 = arith.constant 0 : index
    %get3A_3 = arith.constant 0 : index
    %get3A_4 = vector.load %arg2[%get3A_2, %get3A_3] : memref<768x192xf32, #tpu.memory_space<vmem>>, vector<768x192xf32>
    %dot_general3A = arith.constant dense<0.000000e+00> : vector<4096x192xf32>
    %dot_general3A_5 = tpu.matmul %get3A_1, %get3A_4, %dot_general3A {dimension_numbers = #tpu.dot_dimension_numbers<[1], [0], [0], [1], [0, 0, 1, 1], [], []>, transpose_lhs_hint = false} : vector<4096x768xf32>, vector<768x192xf32>, vector<4096x192xf32> -> vector<4096x192xf32>
    %get3A_6 = arith.constant 0 : index
    %get3A_7 = arith.constant 0 : index
    %get3A_8 = vector.load %arg3[%get3A_6, %get3A_7] : memref<1x192xf32, #tpu.memory_space<vmem>>, vector<1x192xf32>
    %add3A = vector.broadcast %get3A_8 : vector<1x192xf32> to vector<4096x192xf32>
    %add3A_9 = arith.addf %dot_general3A_5, %add3A : vector<4096x192xf32>
    %mul3A = arith.constant 5.000000e-01 : f32
    %mul3A_10 = vector.broadcast %mul3A : f32 to vector<4096x192xf32>
    %mul3A_11 = arith.mulf %mul3A_10, %add3A_9 : vector<4096x192xf32>
    %mul3A_12 = arith.constant 0.707106769 : f32
    %mul3A_13 = vector.broadcast %mul3A_12 : f32 to vector<4096x192xf32>
    %mul3A_14 = arith.mulf %add3A_9, %mul3A_13 : vector<4096x192xf32>
    %erf3A = math.erf %mul3A_14 : vector<4096x192xf32>
    %add3A_15 = arith.constant 1.000000e+00 : f32
    %add3A_16 = vector.broadcast %add3A_15 : f32 to vector<4096x192xf32>
    %add3A_17 = arith.addf %add3A_16, %erf3A : vector<4096x192xf32>
    %mul3A_18 = arith.mulf %mul3A_11, %add3A_17 : vector<4096x192xf32>
    %bitcast_convert_type3A = tpu.bitcast %mul3A_18 : vector<4096x192xf32> -> vector<4096x192xi32>
    %shift_right_logical3A = arith.constant 16 : i32
    %shift_right_logical3A_19 = vector.broadcast %shift_right_logical3A : i32 to vector<4096x192xi32>
    %shift_right_logical3A_20 = arith.shrui %bitcast_convert_type3A, %shift_right_logical3A_19 : vector<4096x192xi32>
    %and3A = arith.constant 1 : i32
    %and3A_21 = vector.broadcast %and3A : i32 to vector<4096x192xi32>
    %and3A_22 = arith.andi %shift_right_logical3A_20, %and3A_21 : vector<4096x192xi32>
    %add3A_23 = arith.constant 32767 : i32
    %add3A_24 = vector.broadcast %add3A_23 : i32 to vector<4096x192xi32>
    %add3A_25 = arith.addi %add3A_24, %and3A_22 : vector<4096x192xi32>
    %add3A_26 = arith.addi %bitcast_convert_type3A, %add3A_25 : vector<4096x192xi32>
    %and3A_27 = arith.constant -65536 : i32
    %and3A_28 = vector.broadcast %and3A_27 : i32 to vector<4096x192xi32>
    %and3A_29 = arith.andi %add3A_26, %and3A_28 : vector<4096x192xi32>
    %bitcast_convert_type3A_30 = tpu.bitcast %and3A_29 : vector<4096x192xi32> -> vector<4096x192xf32>
    %get3A_31 = arith.constant 0 : index
    %get3A_32 = arith.constant 0 : index
    %get3A_33 = vector.load %arg4[%get3A_31, %get3A_32] : memref<1x192xf32, #tpu.memory_space<vmem>>, vector<1x192xf32>
    %bitcast_convert_type3A_34 = tpu.bitcast %get3A_33 : vector<1x192xf32> -> vector<1x192xi32>
    %shift_right_logical3A_35 = arith.constant 16 : i32
    %shift_right_logical3A_36 = vector.broadcast %shift_right_logical3A_35 : i32 to vector<1x192xi32>
    %shift_right_logical3A_37 = arith.shrui %bitcast_convert_type3A_34, %shift_right_logical3A_36 : vector<1x192xi32>
    %and3A_38 = arith.constant 1 : i32
    %and3A_39 = vector.broadcast %and3A_38 : i32 to vector<1x192xi32>
    %and3A_40 = arith.andi %shift_right_logical3A_37, %and3A_39 : vector<1x192xi32>
    %add3A_41 = arith.constant 32767 : i32
    %add3A_42 = vector.broadcast %add3A_41 : i32 to vector<1x192xi32>
    %add3A_43 = arith.addi %add3A_42, %and3A_40 : vector<1x192xi32>
    %add3A_44 = arith.addi %bitcast_convert_type3A_34, %add3A_43 : vector<1x192xi32>
    %and3A_45 = arith.constant -65536 : i32
    %and3A_46 = vector.broadcast %and3A_45 : i32 to vector<1x192xi32>
    %and3A_47 = arith.andi %add3A_44, %and3A_46 : vector<1x192xi32>
    %bitcast_convert_type3A_48 = tpu.bitcast %and3A_47 : vector<1x192xi32> -> vector<1x192xf32>
    %slice3A = vector.extract_strided_slice %bitcast_convert_type3A_30 {offsets = [0, 0], sizes = [1024, 192], strides = [1, 1]} : vector<4096x192xf32> to vector<1024x192xf32>
    %dot_general3A_49 = arith.constant dense<0.000000e+00> : vector<1x1024xf32>
    %dot_general3A_50 = tpu.matmul %bitcast_convert_type3A_48, %slice3A, %dot_general3A_49 {dimension_numbers = #tpu.dot_dimension_numbers<[1], [1], [0], [0], [0, 0, 1, 0], [], []>, transpose_lhs_hint = false} : vector<1x192xf32>, vector<1024x192xf32>, vector<1x1024xf32> -> vector<1x1024xf32>
    %slice3A_51 = vector.extract_strided_slice %bitcast_convert_type3A_30 {offsets = [1024, 0], sizes = [1024, 192], strides = [1, 1]} : vector<4096x192xf32> to vector<1024x192xf32>
    %dot_general3A_52 = arith.constant dense<0.000000e+00> : vector<1x1024xf32>
    %dot_general3A_53 = tpu.matmul %bitcast_convert_type3A_48, %slice3A_51, %dot_general3A_52 {dimension_numbers = #tpu.dot_dimension_numbers<[1], [1], [0], [0], [0, 0, 1, 0], [], []>, transpose_lhs_hint = false} : vector<1x192xf32>, vector<1024x192xf32>, vector<1x1024xf32> -> vector<1x1024xf32>
    %slice3A_54 = vector.extract_strided_slice %bitcast_convert_type3A_30 {offsets = [2048, 0], sizes = [1024, 192], strides = [1, 1]} : vector<4096x192xf32> to vector<1024x192xf32>
    %dot_general3A_55 = arith.constant dense<0.000000e+00> : vector<1x1024xf32>
    %dot_general3A_56 = tpu.matmul %bitcast_convert_type3A_48, %slice3A_54, %dot_general3A_55 {dimension_numbers = #tpu.dot_dimension_numbers<[1], [1], [0], [0], [0, 0, 1, 0], [], []>, transpose_lhs_hint = false} : vector<1x192xf32>, vector<1024x192xf32>, vector<1x1024xf32> -> vector<1x1024xf32>
    %slice3A_57 = vector.extract_strided_slice %bitcast_convert_type3A_30 {offsets = [3072, 0], sizes = [1024, 192], strides = [1, 1]} : vector<4096x192xf32> to vector<1024x192xf32>
    %dot_general3A_58 = arith.constant dense<0.000000e+00> : vector<1x1024xf32>
    %dot_general3A_59 = tpu.matmul %bitcast_convert_type3A_48, %slice3A_57, %dot_general3A_58 {dimension_numbers = #tpu.dot_dimension_numbers<[1], [1], [0], [0], [0, 0, 1, 0], [], []>, transpose_lhs_hint = false} : vector<1x192xf32>, vector<1024x192xf32>, vector<1x1024xf32> -> vector<1x1024xf32>
    %concatenate3A = tpu.concatenate %dot_general3A_50, %dot_general3A_53, %dot_general3A_56, %dot_general3A_59 in 0 : vector<1x1024xf32>, vector<1x1024xf32>, vector<1x1024xf32>, vector<1x1024xf32> -> vector<4x1024xf32>
    %get3A_60 = arith.constant 0 : index
    %get3A_61 = arith.constant 0 : index
    %get3A_62 = vector.load %arg5[%get3A_60, %get3A_61] : memref<1x1xf32, #tpu.memory_space<vmem>>, vector<1x1xf32>
    %add3A_63 = vector.broadcast %get3A_62 : vector<1x1xf32> to vector<4x1024xf32>
    %add3A_64 = arith.addf %concatenate3A, %add3A_63 : vector<4x1024xf32>
    %bitcast_convert_type3A_65 = tpu.bitcast %add3A_64 : vector<4x1024xf32> -> vector<4x1024xi32>
    %shift_right_arithmetic3A = arith.constant 31 : i32
    %shift_right_arithmetic3A_66 = vector.broadcast %shift_right_arithmetic3A : i32 to vector<4x1024xi32>
    %shift_right_arithmetic3A_67 = arith.shrsi %bitcast_convert_type3A_65, %shift_right_arithmetic3A_66 : vector<4x1024xi32>
    %and3A_68 = arith.constant 2147483647 : i32
    %and3A_69 = vector.broadcast %and3A_68 : i32 to vector<4x1024xi32>
    %and3A_70 = arith.andi %shift_right_arithmetic3A_67, %and3A_69 : vector<4x1024xi32>
    %xor3A = arith.xori %bitcast_convert_type3A_65, %and3A_70 : vector<4x1024xi32>
    %reshape3A = vector.shape_cast %xor3A : vector<4x1024xi32> to vector<1x4x1024xi32>
    %swap3A = arith.constant 0 : index
    %swap3A_71 = arith.constant 0 : index
    %swap3A_72 = arith.constant 0 : index
    %swap3A_73 = vector.load %arg6[%swap3A, %swap3A_71, %swap3A_72] : memref<1x4x1024xi32, #tpu.memory_space<vmem>>, vector<1x4x1024xi32>
    tpu.vector_store %arg6[%swap3A, %swap3A_71, %swap3A_72], %reshape3A {strides = array<i32>} : memref<1x4x1024xi32, #tpu.memory_space<vmem>>, vector<1x4x1024xi32>,
    return
  }
  func.func @transform_0(%arg0: i32) -> (i32, i32) {
    %c0_i32 = arith.constant 0 : i32
    %c0_i32_0 = arith.constant 0 : i32
    return %arg0, %c0_i32 : i32, i32
  }
  func.func @transform_1(%arg0: i32) -> (i32, i32) {
    %c0_i32 = arith.constant 0 : i32
    %c0_i32_0 = arith.constant 0 : i32
    %c0_i32_1 = arith.constant 0 : i32
    return %c0_i32, %c0_i32_0 : i32, i32
  }
  func.func @transform_2(%arg0: i32) -> (i32, i32) {
    %c0_i32 = arith.constant 0 : i32
    %c0_i32_0 = arith.constant 0 : i32
    %c0_i32_1 = arith.constant 0 : i32
    return %c0_i32, %c0_i32_0 : i32, i32
  }
  func.func @transform_3(%arg0: i32) -> (i32, i32) {
    %c0_i32 = arith.constant 0 : i32
    %c0_i32_0 = arith.constant 0 : i32
    %c0_i32_1 = arith.constant 0 : i32
    return %c0_i32, %c0_i32_0 : i32, i32
  }
  func.func @transform_4(%arg0: i32) -> (i32, i32) {
    %c0_i32 = arith.constant 0 : i32
    %c0_i32_0 = arith.constant 0 : i32
    %c0_i32_1 = arith.constant 0 : i32
    return %c0_i32, %c0_i32_0 : i32, i32
  }
  func.func @transform_5(%arg0: i32) -> (i32, i32, i32) {
    %c0_i32 = arith.constant 0 : i32
    %c0_i32_0 = arith.constant 0 : i32
    %c0_i32_1 = arith.constant 0 : i32
    return %arg0, %c0_i32, %c0_i32_0 : i32, i32, i32
  }
}

module attributes {stable_mosaic.version = 14 : i64} {
  func.func @_mlp_body(%arg0: memref<128x768xf32, #tpu.memory_space<vmem>>, %arg1: memref<768x384xf32, #tpu.memory_space<vmem>>, %arg2: memref<1x384xf32, #tpu.memory_space<vmem>>, %arg3: memref<384x384xf32, #tpu.memory_space<vmem>>, %arg4: memref<1x384xf32, #tpu.memory_space<vmem>>, %arg5: memref<1x384xf32, #tpu.memory_space<vmem>>, %arg6: memref<1x384xf32, #tpu.memory_space<vmem>>, %arg7: memref<128x384xf32, #tpu.memory_space<vmem>>) attributes {dimension_semantics = [], scalar_prefetch = 0 : i64, scratch_operands = 0 : i64, tpu.core_type = #tpu.core_type<tc>} {
    %get3A = arith.constant 0 : index
    %get3A_0 = arith.constant 0 : index
    %get3A_1 = vector.load %arg0[%get3A, %get3A_0] : memref<128x768xf32, #tpu.memory_space<vmem>>, vector<128x768xf32>
    %get3A_2 = arith.constant 0 : index
    %get3A_3 = arith.constant 0 : index
    %get3A_4 = vector.load %arg1[%get3A_2, %get3A_3] : memref<768x384xf32, #tpu.memory_space<vmem>>, vector<768x384xf32>
    %dot_general3A = arith.constant dense<0.000000e+00> : vector<128x384xf32>
    %dot_general3A_5 = tpu.matmul %get3A_1, %get3A_4, %dot_general3A {dimension_numbers = #tpu.dot_dimension_numbers<[1], [0], [0], [1], [0, 0, 1, 1], [], []>, transpose_lhs_hint = false} : vector<128x768xf32>, vector<768x384xf32>, vector<128x384xf32> -> vector<128x384xf32>
    %get3A_6 = arith.constant 0 : index
    %get3A_7 = arith.constant 0 : index
    %get3A_8 = vector.load %arg2[%get3A_6, %get3A_7] : memref<1x384xf32, #tpu.memory_space<vmem>>, vector<1x384xf32>
    %add3A = vector.broadcast %get3A_8 : vector<1x384xf32> to vector<128x384xf32>
    %add3A_9 = arith.addf %dot_general3A_5, %add3A : vector<128x384xf32>
    %mul3A = arith.constant 5.000000e-01 : f32
    %mul3A_10 = vector.broadcast %mul3A : f32 to vector<128x384xf32>
    %mul3A_11 = arith.mulf %mul3A_10, %add3A_9 : vector<128x384xf32>
    %mul3A_12 = arith.constant 0.707106769 : f32
    %mul3A_13 = vector.broadcast %mul3A_12 : f32 to vector<128x384xf32>
    %mul3A_14 = arith.mulf %add3A_9, %mul3A_13 : vector<128x384xf32>
    %erf3A = math.erf %mul3A_14 : vector<128x384xf32>
    %add3A_15 = arith.constant 1.000000e+00 : f32
    %add3A_16 = vector.broadcast %add3A_15 : f32 to vector<128x384xf32>
    %add3A_17 = arith.addf %add3A_16, %erf3A : vector<128x384xf32>
    %mul3A_18 = arith.mulf %mul3A_11, %add3A_17 : vector<128x384xf32>
    %get3A_19 = arith.constant 0 : index
    %get3A_20 = arith.constant 0 : index
    %get3A_21 = vector.load %arg3[%get3A_19, %get3A_20] : memref<384x384xf32, #tpu.memory_space<vmem>>, vector<384x384xf32>
    %dot_general3A_22 = arith.constant dense<0.000000e+00> : vector<128x384xf32>
    %dot_general3A_23 = tpu.matmul %mul3A_18, %get3A_21, %dot_general3A_22 {dimension_numbers = #tpu.dot_dimension_numbers<[1], [0], [0], [1], [0, 0, 1, 1], [], []>, transpose_lhs_hint = false} : vector<128x384xf32>, vector<384x384xf32>, vector<128x384xf32> -> vector<128x384xf32>
    %get3A_24 = arith.constant 0 : index
    %get3A_25 = arith.constant 0 : index
    %get3A_26 = vector.load %arg4[%get3A_24, %get3A_25] : memref<1x384xf32, #tpu.memory_space<vmem>>, vector<1x384xf32>
    %add3A_27 = vector.broadcast %get3A_26 : vector<1x384xf32> to vector<128x384xf32>
    %add3A_28 = arith.addf %dot_general3A_23, %add3A_27 : vector<128x384xf32>
    %reduce_sum3A = arith.constant dense<0.000000e+00> : vector<128xf32>
    %reduce_sum3A_29 = vector.multi_reduction <add>, %add3A_28, %reduce_sum3A [1] : vector<128x384xf32> to vector<128xf32>
    %broadcast_in_dim3A = vector.shape_cast %reduce_sum3A_29 : vector<128xf32> to vector<128x1xf32>
    %div3A = arith.constant 3.840000e+02 : f32
    %div3A_30 = vector.broadcast %div3A : f32 to vector<128x1xf32>
    %div3A_31 = arith.divf %broadcast_in_dim3A, %div3A_30 : vector<128x1xf32>
    %sub3A = vector.broadcast %div3A_31 : vector<128x1xf32> to vector<128x384xf32>
    %sub3A_32 = arith.subf %add3A_28, %sub3A : vector<128x384xf32>
    %sub3A_33 = vector.broadcast %div3A_31 : vector<128x1xf32> to vector<128x384xf32>
    %sub3A_34 = arith.subf %add3A_28, %sub3A_33 : vector<128x384xf32>
    %mul3A_35 = arith.mulf %sub3A_32, %sub3A_34 : vector<128x384xf32>
    %reduce_sum3A_36 = arith.constant dense<0.000000e+00> : vector<128xf32>
    %reduce_sum3A_37 = vector.multi_reduction <add>, %mul3A_35, %reduce_sum3A_36 [1] : vector<128x384xf32> to vector<128xf32>
    %broadcast_in_dim3A_38 = vector.shape_cast %reduce_sum3A_37 : vector<128xf32> to vector<128x1xf32>
    %div3A_39 = arith.constant 3.840000e+02 : f32
    %div3A_40 = vector.broadcast %div3A_39 : f32 to vector<128x1xf32>
    %div3A_41 = arith.divf %broadcast_in_dim3A_38, %div3A_40 : vector<128x1xf32>
    %sub3A_42 = vector.broadcast %div3A_31 : vector<128x1xf32> to vector<128x384xf32>
    %sub3A_43 = arith.subf %add3A_28, %sub3A_42 : vector<128x384xf32>
    %add3A_44 = arith.constant 9.99999974E-6 : f32
    %add3A_45 = vector.broadcast %add3A_44 : f32 to vector<128x1xf32>
    %add3A_46 = arith.addf %div3A_41, %add3A_45 : vector<128x1xf32>
    %sqrt3A = math.sqrt %add3A_46 : vector<128x1xf32>
    %div3A_47 = vector.broadcast %sqrt3A : vector<128x1xf32> to vector<128x384xf32>
    %div3A_48 = arith.divf %sub3A_43, %div3A_47 : vector<128x384xf32>
    %get3A_49 = arith.constant 0 : index
    %get3A_50 = arith.constant 0 : index
    %get3A_51 = vector.load %arg5[%get3A_49, %get3A_50] : memref<1x384xf32, #tpu.memory_space<vmem>>, vector<1x384xf32>
    %mul3A_52 = vector.broadcast %get3A_51 : vector<1x384xf32> to vector<128x384xf32>
    %mul3A_53 = arith.mulf %div3A_48, %mul3A_52 : vector<128x384xf32>
    %get3A_54 = arith.constant 0 : index
    %get3A_55 = arith.constant 0 : index
    %get3A_56 = vector.load %arg6[%get3A_54, %get3A_55] : memref<1x384xf32, #tpu.memory_space<vmem>>, vector<1x384xf32>
    %add3A_57 = vector.broadcast %get3A_56 : vector<1x384xf32> to vector<128x384xf32>
    %add3A_58 = arith.addf %mul3A_53, %add3A_57 : vector<128x384xf32>
    %swap3A = arith.constant 0 : index
    %swap3A_59 = arith.constant 0 : index
    %swap3A_60 = vector.load %arg7[%swap3A, %swap3A_59] : memref<128x384xf32, #tpu.memory_space<vmem>>, vector<128x384xf32>
    tpu.vector_store %arg7[%swap3A, %swap3A_59], %add3A_58 {strides = array<i32>} : memref<128x384xf32, #tpu.memory_space<vmem>>, vector<128x384xf32>,
    return
  }
}

module attributes {stable_mosaic.version = 14 : i64} {
  func.func @_topk_body(%arg0: memref<8x4x1024xi32, #tpu.memory_space<vmem>>, %arg1: memref<4x8192xi32, #tpu.memory_space<vmem>>, %arg2: memref<4x32xi32, #tpu.memory_space<vmem>>, %arg3: memref<4x32xf32, #tpu.memory_space<vmem>>) attributes {dimension_semantics = [], scalar_prefetch = 0 : i64, scratch_operands = 0 : i64, tpu.core_type = #tpu.core_type<tc>} {
    %iota3A = tpu.iota {dimensions = array<i32: 1>} : vector<4x8x1024xi32>
    %mul3A = arith.constant 1024 : i32
    %mul3A_0 = vector.broadcast %mul3A : i32 to vector<4x8x1024xi32>
    %mul3A_1 = arith.muli %iota3A, %mul3A_0 : vector<4x8x1024xi32>
    %iota3A_2 = tpu.iota {dimensions = array<i32: 2>} : vector<4x8x1024xi32>
    %add3A = arith.addi %mul3A_1, %iota3A_2 : vector<4x8x1024xi32>
    %iota3A_3 = tpu.iota {dimensions = array<i32: 0>} : vector<4x1xi32>
    %mul3A_4 = arith.constant 8192 : i32
    %mul3A_5 = vector.broadcast %mul3A_4 : i32 to vector<4x1xi32>
    %mul3A_6 = arith.muli %iota3A_3, %mul3A_5 : vector<4x1xi32>
    %get3A = arith.constant 0 : index
    %get3A_7 = arith.constant 0 : index
    %get3A_8 = arith.constant 0 : index
    %get3A_9 = vector.load %arg0[%get3A, %get3A_7, %get3A_8] : memref<8x4x1024xi32, #tpu.memory_space<vmem>>, vector<8x4x1024xi32>
    %reshape3A = vector.shape_cast %get3A_9 : vector<8x4x1024xi32> to vector<4x8x1024xi32>
    %get3A_10 = arith.constant 0 : index
    %get3A_11 = arith.constant 0 : index
    %get3A_12 = vector.load %arg1[%get3A_10, %get3A_11] : memref<4x8192xi32, #tpu.memory_space<vmem>>, vector<4x8192xi32>
    %reshape3A_13 = vector.shape_cast %get3A_12 : vector<4x8192xi32> to vector<4x8x1024xi32>
    %eq3A = arith.constant 0 : i32
    %eq3A_14 = vector.broadcast %eq3A : i32 to vector<4x8x1024xi32>
    %eq3A_15 = arith.cmpi eq, %reshape3A_13, %eq3A_14 : vector<4x8x1024xi32>
    %jit3A = arith.constant -2139095041 : i32
    %broadcast_in_dim3A = vector.broadcast %jit3A : i32 to vector<4x8x1024xi32>
    %select_n3A = arith.select %eq3A_15, %broadcast_in_dim3A, %reshape3A : vector<4x8x1024xi1>, vector<4x8x1024xi32>
    %reduce_max3A = arith.constant dense<-2147483648> : vector<4xi32>
    %reduce_max3A_16 = vector.multi_reduction <maxsi>, %select_n3A, %reduce_max3A [1, 2] : vector<4x8x1024xi32> to vector<4xi32>
    %broadcast_in_dim3A_17 = vector.shape_cast %reduce_max3A_16 : vector<4xi32> to vector<4x1x1xi32>
    %eq3A_18 = vector.broadcast %broadcast_in_dim3A_17 : vector<4x1x1xi32> to vector<4x8x1024xi32>
    %eq3A_19 = arith.cmpi eq, %select_n3A, %eq3A_18 : vector<4x8x1024xi32>
    %jit3A_20 = arith.constant 8192 : i32
    %broadcast_in_dim3A_21 = vector.broadcast %jit3A_20 : i32 to vector<4x8x1024xi32>
    %select_n3A_22 = arith.select %eq3A_19, %add3A, %broadcast_in_dim3A_21 : vector<4x8x1024xi1>, vector<4x8x1024xi32>
    %reduce_min3A = arith.constant dense<2147483647> : vector<4xi32>
    %reduce_min3A_23 = vector.multi_reduction <minsi>, %select_n3A_22, %reduce_min3A [1, 2] : vector<4x8x1024xi32> to vector<4xi32>
    %broadcast_in_dim3A_24 = vector.shape_cast %reduce_min3A_23 : vector<4xi32> to vector<4x1x1xi32>
    %reshape3A_25 = vector.shape_cast %broadcast_in_dim3A_24 : vector<4x1x1xi32> to vector<4x1xi32>
    %add3A_26 = arith.addi %reshape3A_25, %mul3A_6 : vector<4x1xi32>
    %swap3A = arith.constant 0 : index
    %swap3A_27 = arith.constant 0 : index
    %swap3A_28 = vector.load %arg2[%swap3A, %swap3A_27] : memref<4x32xi32, #tpu.memory_space<vmem>>, vector<4x1xi32>
    tpu.vector_store %arg2[%swap3A, %swap3A_27], %add3A_26 {strides = array<i32>} : memref<4x32xi32, #tpu.memory_space<vmem>>, vector<4x1xi32>,
    %gt3A = arith.constant -2139095041 : i32
    %gt3A_29 = vector.broadcast %gt3A : i32 to vector<4x1x1xi32>
    %gt3A_30 = arith.cmpi sgt, %broadcast_in_dim3A_17, %gt3A_29 : vector<4x1x1xi32>
    %convert_element_type3A = arith.extui %gt3A_30 : vector<4x1x1xi1> to vector<4x1x1xi32>
    %convert_element_type3A_31 = arith.sitofp %convert_element_type3A : vector<4x1x1xi32> to vector<4x1x1xf32>
    %reshape3A_32 = vector.shape_cast %convert_element_type3A_31 : vector<4x1x1xf32> to vector<4x1xf32>
    %swap3A_33 = arith.constant 0 : index
    %swap3A_34 = arith.constant 0 : index
    %swap3A_35 = vector.load %arg3[%swap3A_33, %swap3A_34] : memref<4x32xf32, #tpu.memory_space<vmem>>, vector<4x1xf32>
    tpu.vector_store %arg3[%swap3A_33, %swap3A_34], %reshape3A_32 {strides = array<i32>} : memref<4x32xf32, #tpu.memory_space<vmem>>, vector<4x1xf32>,
    %eq3A_36 = vector.broadcast %broadcast_in_dim3A_24 : vector<4x1x1xi32> to vector<4x8x1024xi32>
    %eq3A_37 = arith.cmpi eq, %add3A, %eq3A_36 : vector<4x8x1024xi32>
    %jit3A_38 = arith.constant -2147483648 : i32
    %broadcast_in_dim3A_39 = vector.broadcast %jit3A_38 : i32 to vector<4x8x1024xi32>
    %select_n3A_40 = arith.select %eq3A_37, %broadcast_in_dim3A_39, %select_n3A : vector<4x8x1024xi1>, vector<4x8x1024xi32>
    %reduce_max3A_41 = arith.constant dense<-2147483648> : vector<4xi32>
    %reduce_max3A_42 = vector.multi_reduction <maxsi>, %select_n3A_40, %reduce_max3A_41 [1, 2] : vector<4x8x1024xi32> to vector<4xi32>
    %broadcast_in_dim3A_43 = vector.shape_cast %reduce_max3A_42 : vector<4xi32> to vector<4x1x1xi32>
    %eq3A_44 = vector.broadcast %broadcast_in_dim3A_43 : vector<4x1x1xi32> to vector<4x8x1024xi32>
    %eq3A_45 = arith.cmpi eq, %select_n3A_40, %eq3A_44 : vector<4x8x1024xi32>
    %jit3A_46 = arith.constant 8192 : i32
    %broadcast_in_dim3A_47 = vector.broadcast %jit3A_46 : i32 to vector<4x8x1024xi32>
    %select_n3A_48 = arith.select %eq3A_45, %add3A, %broadcast_in_dim3A_47 : vector<4x8x1024xi1>, vector<4x8x1024xi32>
    %reduce_min3A_49 = arith.constant dense<2147483647> : vector<4xi32>
    %reduce_min3A_50 = vector.multi_reduction <minsi>, %select_n3A_48, %reduce_min3A_49 [1, 2] : vector<4x8x1024xi32> to vector<4xi32>
    %broadcast_in_dim3A_51 = vector.shape_cast %reduce_min3A_50 : vector<4xi32> to vector<4x1x1xi32>
    %reshape3A_52 = vector.shape_cast %broadcast_in_dim3A_51 : vector<4x1x1xi32> to vector<4x1xi32>
    %add3A_53 = arith.addi %reshape3A_52, %mul3A_6 : vector<4x1xi32>
    %swap3A_54 = arith.constant 0 : index
    %swap3A_55 = arith.constant 1 : index
    %swap3A_56 = vector.load %arg2[%swap3A_54, %swap3A_55] : memref<4x32xi32, #tpu.memory_space<vmem>>, vector<4x1xi32>
    tpu.vector_store %arg2[%swap3A_54, %swap3A_55], %add3A_53 {strides = array<i32>} : memref<4x32xi32, #tpu.memory_space<vmem>>, vector<4x1xi32>,
    %gt3A_57 = arith.constant -2139095041 : i32
    %gt3A_58 = vector.broadcast %gt3A_57 : i32 to vector<4x1x1xi32>
    %gt3A_59 = arith.cmpi sgt, %broadcast_in_dim3A_43, %gt3A_58 : vector<4x1x1xi32>
    %convert_element_type3A_60 = arith.extui %gt3A_59 : vector<4x1x1xi1> to vector<4x1x1xi32>
    %convert_element_type3A_61 = arith.sitofp %convert_element_type3A_60 : vector<4x1x1xi32> to vector<4x1x1xf32>
    %reshape3A_62 = vector.shape_cast %convert_element_type3A_61 : vector<4x1x1xf32> to vector<4x1xf32>
    %swap3A_63 = arith.constant 0 : index
    %swap3A_64 = arith.constant 1 : index
    %swap3A_65 = vector.load %arg3[%swap3A_63, %swap3A_64] : memref<4x32xf32, #tpu.memory_space<vmem>>, vector<4x1xf32>
    tpu.vector_store %arg3[%swap3A_63, %swap3A_64], %reshape3A_62 {strides = array<i32>} : memref<4x32xf32, #tpu.memory_space<vmem>>, vector<4x1xf32>,
    %eq3A_66 = vector.broadcast %broadcast_in_dim3A_51 : vector<4x1x1xi32> to vector<4x8x1024xi32>
    %eq3A_67 = arith.cmpi eq, %add3A, %eq3A_66 : vector<4x8x1024xi32>
    %jit3A_68 = arith.constant -2147483648 : i32
    %broadcast_in_dim3A_69 = vector.broadcast %jit3A_68 : i32 to vector<4x8x1024xi32>
    %select_n3A_70 = arith.select %eq3A_67, %broadcast_in_dim3A_69, %select_n3A_40 : vector<4x8x1024xi1>, vector<4x8x1024xi32>
    %reduce_max3A_71 = arith.constant dense<-2147483648> : vector<4xi32>
    %reduce_max3A_72 = vector.multi_reduction <maxsi>, %select_n3A_70, %reduce_max3A_71 [1, 2] : vector<4x8x1024xi32> to vector<4xi32>
    %broadcast_in_dim3A_73 = vector.shape_cast %reduce_max3A_72 : vector<4xi32> to vector<4x1x1xi32>
    %eq3A_74 = vector.broadcast %broadcast_in_dim3A_73 : vector<4x1x1xi32> to vector<4x8x1024xi32>
    %eq3A_75 = arith.cmpi eq, %select_n3A_70, %eq3A_74 : vector<4x8x1024xi32>
    %jit3A_76 = arith.constant 8192 : i32
    %broadcast_in_dim3A_77 = vector.broadcast %jit3A_76 : i32 to vector<4x8x1024xi32>
    %select_n3A_78 = arith.select %eq3A_75, %add3A, %broadcast_in_dim3A_77 : vector<4x8x1024xi1>, vector<4x8x1024xi32>
    %reduce_min3A_79 = arith.constant dense<2147483647> : vector<4xi32>
    %reduce_min3A_80 = vector.multi_reduction <minsi>, %select_n3A_78, %reduce_min3A_79 [1, 2] : vector<4x8x1024xi32> to vector<4xi32>
    %broadcast_in_dim3A_81 = vector.shape_cast %reduce_min3A_80 : vector<4xi32> to vector<4x1x1xi32>
    %reshape3A_82 = vector.shape_cast %broadcast_in_dim3A_81 : vector<4x1x1xi32> to vector<4x1xi32>
    %add3A_83 = arith.addi %reshape3A_82, %mul3A_6 : vector<4x1xi32>
    %swap3A_84 = arith.constant 0 : index
    %swap3A_85 = arith.constant 2 : index
    %swap3A_86 = vector.load %arg2[%swap3A_84, %swap3A_85] : memref<4x32xi32, #tpu.memory_space<vmem>>, vector<4x1xi32>
    tpu.vector_store %arg2[%swap3A_84, %swap3A_85], %add3A_83 {strides = array<i32>} : memref<4x32xi32, #tpu.memory_space<vmem>>, vector<4x1xi32>,
    %gt3A_87 = arith.constant -2139095041 : i32
    %gt3A_88 = vector.broadcast %gt3A_87 : i32 to vector<4x1x1xi32>
    %gt3A_89 = arith.cmpi sgt, %broadcast_in_dim3A_73, %gt3A_88 : vector<4x1x1xi32>
    %convert_element_type3A_90 = arith.extui %gt3A_89 : vector<4x1x1xi1> to vector<4x1x1xi32>
    %convert_element_type3A_91 = arith.sitofp %convert_element_type3A_90 : vector<4x1x1xi32> to vector<4x1x1xf32>
    %reshape3A_92 = vector.shape_cast %convert_element_type3A_91 : vector<4x1x1xf32> to vector<4x1xf32>
    %swap3A_93 = arith.constant 0 : index
    %swap3A_94 = arith.constant 2 : index
    %swap3A_95 = vector.load %arg3[%swap3A_93, %swap3A_94] : memref<4x32xf32, #tpu.memory_space<vmem>>, vector<4x1xf32>
    tpu.vector_store %arg3[%swap3A_93, %swap3A_94], %reshape3A_92 {strides = array<i32>} : memref<4x32xf32, #tpu.memory_space<vmem>>, vector<4x1xf32>,
    %eq3A_96 = vector.broadcast %broadcast_in_dim3A_81 : vector<4x1x1xi32> to vector<4x8x1024xi32>
    %eq3A_97 = arith.cmpi eq, %add3A, %eq3A_96 : vector<4x8x1024xi32>
    %jit3A_98 = arith.constant -2147483648 : i32
    %broadcast_in_dim3A_99 = vector.broadcast %jit3A_98 : i32 to vector<4x8x1024xi32>
    %select_n3A_100 = arith.select %eq3A_97, %broadcast_in_dim3A_99, %select_n3A_70 : vector<4x8x1024xi1>, vector<4x8x1024xi32>
    %reduce_max3A_101 = arith.constant dense<-2147483648> : vector<4xi32>
    %reduce_max3A_102 = vector.multi_reduction <maxsi>, %select_n3A_100, %reduce_max3A_101 [1, 2] : vector<4x8x1024xi32> to vector<4xi32>
    %broadcast_in_dim3A_103 = vector.shape_cast %reduce_max3A_102 : vector<4xi32> to vector<4x1x1xi32>
    %eq3A_104 = vector.broadcast %broadcast_in_dim3A_103 : vector<4x1x1xi32> to vector<4x8x1024xi32>
    %eq3A_105 = arith.cmpi eq, %select_n3A_100, %eq3A_104 : vector<4x8x1024xi32>
    %jit3A_106 = arith.constant 8192 : i32
    %broadcast_in_dim3A_107 = vector.broadcast %jit3A_106 : i32 to vector<4x8x1024xi32>
    %select_n3A_108 = arith.select %eq3A_105, %add3A, %broadcast_in_dim3A_107 : vector<4x8x1024xi1>, vector<4x8x1024xi32>
    %reduce_min3A_109 = arith.constant dense<2147483647> : vector<4xi32>
    %reduce_min3A_110 = vector.multi_reduction <minsi>, %select_n3A_108, %reduce_min3A_109 [1, 2] : vector<4x8x1024xi32> to vector<4xi32>
    %broadcast_in_dim3A_111 = vector.shape_cast %reduce_min3A_110 : vector<4xi32> to vector<4x1x1xi32>
    %reshape3A_112 = vector.shape_cast %broadcast_in_dim3A_111 : vector<4x1x1xi32> to vector<4x1xi32>
    %add3A_113 = arith.addi %reshape3A_112, %mul3A_6 : vector<4x1xi32>
    %swap3A_114 = arith.constant 0 : index
    %swap3A_115 = arith.constant 3 : index
    %swap3A_116 = vector.load %arg2[%swap3A_114, %swap3A_115] : memref<4x32xi32, #tpu.memory_space<vmem>>, vector<4x1xi32>
    tpu.vector_store %arg2[%swap3A_114, %swap3A_115], %add3A_113 {strides = array<i32>} : memref<4x32xi32, #tpu.memory_space<vmem>>, vector<4x1xi32>,
    %gt3A_117 = arith.constant -2139095041 : i32
    %gt3A_118 = vector.broadcast %gt3A_117 : i32 to vector<4x1x1xi32>
    %gt3A_119 = arith.cmpi sgt, %broadcast_in_dim3A_103, %gt3A_118 : vector<4x1x1xi32>
    %convert_element_type3A_120 = arith.extui %gt3A_119 : vector<4x1x1xi1> to vector<4x1x1xi32>
    %convert_element_type3A_121 = arith.sitofp %convert_element_type3A_120 : vector<4x1x1xi32> to vector<4x1x1xf32>
    %reshape3A_122 = vector.shape_cast %convert_element_type3A_121 : vector<4x1x1xf32> to vector<4x1xf32>
    %swap3A_123 = arith.constant 0 : index
    %swap3A_124 = arith.constant 3 : index
    %swap3A_125 = vector.load %arg3[%swap3A_123, %swap3A_124] : memref<4x32xf32, #tpu.memory_space<vmem>>, vector<4x1xf32>
    tpu.vector_store %arg3[%swap3A_123, %swap3A_124], %reshape3A_122 {strides = array<i32>} : memref<4x32xf32, #tpu.memory_space<vmem>>, vector<4x1xf32>,
    %eq3A_126 = vector.broadcast %broadcast_in_dim3A_111 : vector<4x1x1xi32> to vector<4x8x1024xi32>
    %eq3A_127 = arith.cmpi eq, %add3A, %eq3A_126 : vector<4x8x1024xi32>
    %jit3A_128 = arith.constant -2147483648 : i32
    %broadcast_in_dim3A_129 = vector.broadcast %jit3A_128 : i32 to vector<4x8x1024xi32>
    %select_n3A_130 = arith.select %eq3A_127, %broadcast_in_dim3A_129, %select_n3A_100 : vector<4x8x1024xi1>, vector<4x8x1024xi32>
    %reduce_max3A_131 = arith.constant dense<-2147483648> : vector<4xi32>
    %reduce_max3A_132 = vector.multi_reduction <maxsi>, %select_n3A_130, %reduce_max3A_131 [1, 2] : vector<4x8x1024xi32> to vector<4xi32>
    %broadcast_in_dim3A_133 = vector.shape_cast %reduce_max3A_132 : vector<4xi32> to vector<4x1x1xi32>
    %eq3A_134 = vector.broadcast %broadcast_in_dim3A_133 : vector<4x1x1xi32> to vector<4x8x1024xi32>
    %eq3A_135 = arith.cmpi eq, %select_n3A_130, %eq3A_134 : vector<4x8x1024xi32>
    %jit3A_136 = arith.constant 8192 : i32
    %broadcast_in_dim3A_137 = vector.broadcast %jit3A_136 : i32 to vector<4x8x1024xi32>
    %select_n3A_138 = arith.select %eq3A_135, %add3A, %broadcast_in_dim3A_137 : vector<4x8x1024xi1>, vector<4x8x1024xi32>
    %reduce_min3A_139 = arith.constant dense<2147483647> : vector<4xi32>
    %reduce_min3A_140 = vector.multi_reduction <minsi>, %select_n3A_138, %reduce_min3A_139 [1, 2] : vector<4x8x1024xi32> to vector<4xi32>
    %broadcast_in_dim3A_141 = vector.shape_cast %reduce_min3A_140 : vector<4xi32> to vector<4x1x1xi32>
    %reshape3A_142 = vector.shape_cast %broadcast_in_dim3A_141 : vector<4x1x1xi32> to vector<4x1xi32>
    %add3A_143 = arith.addi %reshape3A_142, %mul3A_6 : vector<4x1xi32>
    %swap3A_144 = arith.constant 0 : index
    %swap3A_145 = arith.constant 4 : index
    %swap3A_146 = vector.load %arg2[%swap3A_144, %swap3A_145] : memref<4x32xi32, #tpu.memory_space<vmem>>, vector<4x1xi32>
    tpu.vector_store %arg2[%swap3A_144, %swap3A_145], %add3A_143 {strides = array<i32>} : memref<4x32xi32, #tpu.memory_space<vmem>>, vector<4x1xi32>,
    %gt3A_147 = arith.constant -2139095041 : i32
    %gt3A_148 = vector.broadcast %gt3A_147 : i32 to vector<4x1x1xi32>
    %gt3A_149 = arith.cmpi sgt, %broadcast_in_dim3A_133, %gt3A_148 : vector<4x1x1xi32>
    %convert_element_type3A_150 = arith.extui %gt3A_149 : vector<4x1x1xi1> to vector<4x1x1xi32>
    %convert_element_type3A_151 = arith.sitofp %convert_element_type3A_150 : vector<4x1x1xi32> to vector<4x1x1xf32>
    %reshape3A_152 = vector.shape_cast %convert_element_type3A_151 : vector<4x1x1xf32> to vector<4x1xf32>
    %swap3A_153 = arith.constant 0 : index
    %swap3A_154 = arith.constant 4 : index
    %swap3A_155 = vector.load %arg3[%swap3A_153, %swap3A_154] : memref<4x32xf32, #tpu.memory_space<vmem>>, vector<4x1xf32>
    tpu.vector_store %arg3[%swap3A_153, %swap3A_154], %reshape3A_152 {strides = array<i32>} : memref<4x32xf32, #tpu.memory_space<vmem>>, vector<4x1xf32>,
    %eq3A_156 = vector.broadcast %broadcast_in_dim3A_141 : vector<4x1x1xi32> to vector<4x8x1024xi32>
    %eq3A_157 = arith.cmpi eq, %add3A, %eq3A_156 : vector<4x8x1024xi32>
    %jit3A_158 = arith.constant -2147483648 : i32
    %broadcast_in_dim3A_159 = vector.broadcast %jit3A_158 : i32 to vector<4x8x1024xi32>
    %select_n3A_160 = arith.select %eq3A_157, %broadcast_in_dim3A_159, %select_n3A_130 : vector<4x8x1024xi1>, vector<4x8x1024xi32>
    %reduce_max3A_161 = arith.constant dense<-2147483648> : vector<4xi32>
    %reduce_max3A_162 = vector.multi_reduction <maxsi>, %select_n3A_160, %reduce_max3A_161 [1, 2] : vector<4x8x1024xi32> to vector<4xi32>
    %broadcast_in_dim3A_163 = vector.shape_cast %reduce_max3A_162 : vector<4xi32> to vector<4x1x1xi32>
    %eq3A_164 = vector.broadcast %broadcast_in_dim3A_163 : vector<4x1x1xi32> to vector<4x8x1024xi32>
    %eq3A_165 = arith.cmpi eq, %select_n3A_160, %eq3A_164 : vector<4x8x1024xi32>
    %jit3A_166 = arith.constant 8192 : i32
    %broadcast_in_dim3A_167 = vector.broadcast %jit3A_166 : i32 to vector<4x8x1024xi32>
    %select_n3A_168 = arith.select %eq3A_165, %add3A, %broadcast_in_dim3A_167 : vector<4x8x1024xi1>, vector<4x8x1024xi32>
    %reduce_min3A_169 = arith.constant dense<2147483647> : vector<4xi32>
    %reduce_min3A_170 = vector.multi_reduction <minsi>, %select_n3A_168, %reduce_min3A_169 [1, 2] : vector<4x8x1024xi32> to vector<4xi32>
    %broadcast_in_dim3A_171 = vector.shape_cast %reduce_min3A_170 : vector<4xi32> to vector<4x1x1xi32>
    %reshape3A_172 = vector.shape_cast %broadcast_in_dim3A_171 : vector<4x1x1xi32> to vector<4x1xi32>
    %add3A_173 = arith.addi %reshape3A_172, %mul3A_6 : vector<4x1xi32>
    %swap3A_174 = arith.constant 0 : index
    %swap3A_175 = arith.constant 5 : index
    %swap3A_176 = vector.load %arg2[%swap3A_174, %swap3A_175] : memref<4x32xi32, #tpu.memory_space<vmem>>, vector<4x1xi32>
    tpu.vector_store %arg2[%swap3A_174, %swap3A_175], %add3A_173 {strides = array<i32>} : memref<4x32xi32, #tpu.memory_space<vmem>>, vector<4x1xi32>,
    %gt3A_177 = arith.constant -2139095041 : i32
    %gt3A_178 = vector.broadcast %gt3A_177 : i32 to vector<4x1x1xi32>
    %gt3A_179 = arith.cmpi sgt, %broadcast_in_dim3A_163, %gt3A_178 : vector<4x1x1xi32>
    %convert_element_type3A_180 = arith.extui %gt3A_179 : vector<4x1x1xi1> to vector<4x1x1xi32>
    %convert_element_type3A_181 = arith.sitofp %convert_element_type3A_180 : vector<4x1x1xi32> to vector<4x1x1xf32>
    %reshape3A_182 = vector.shape_cast %convert_element_type3A_181 : vector<4x1x1xf32> to vector<4x1xf32>
    %swap3A_183 = arith.constant 0 : index
    %swap3A_184 = arith.constant 5 : index
    %swap3A_185 = vector.load %arg3[%swap3A_183, %swap3A_184] : memref<4x32xf32, #tpu.memory_space<vmem>>, vector<4x1xf32>
    tpu.vector_store %arg3[%swap3A_183, %swap3A_184], %reshape3A_182 {strides = array<i32>} : memref<4x32xf32, #tpu.memory_space<vmem>>, vector<4x1xf32>,
    %eq3A_186 = vector.broadcast %broadcast_in_dim3A_171 : vector<4x1x1xi32> to vector<4x8x1024xi32>
    %eq3A_187 = arith.cmpi eq, %add3A, %eq3A_186 : vector<4x8x1024xi32>
    %jit3A_188 = arith.constant -2147483648 : i32
    %broadcast_in_dim3A_189 = vector.broadcast %jit3A_188 : i32 to vector<4x8x1024xi32>
    %select_n3A_190 = arith.select %eq3A_187, %broadcast_in_dim3A_189, %select_n3A_160 : vector<4x8x1024xi1>, vector<4x8x1024xi32>
    %reduce_max3A_191 = arith.constant dense<-2147483648> : vector<4xi32>
    %reduce_max3A_192 = vector.multi_reduction <maxsi>, %select_n3A_190, %reduce_max3A_191 [1, 2] : vector<4x8x1024xi32> to vector<4xi32>
    %broadcast_in_dim3A_193 = vector.shape_cast %reduce_max3A_192 : vector<4xi32> to vector<4x1x1xi32>
    %eq3A_194 = vector.broadcast %broadcast_in_dim3A_193 : vector<4x1x1xi32> to vector<4x8x1024xi32>
    %eq3A_195 = arith.cmpi eq, %select_n3A_190, %eq3A_194 : vector<4x8x1024xi32>
    %jit3A_196 = arith.constant 8192 : i32
    %broadcast_in_dim3A_197 = vector.broadcast %jit3A_196 : i32 to vector<4x8x1024xi32>
    %select_n3A_198 = arith.select %eq3A_195, %add3A, %broadcast_in_dim3A_197 : vector<4x8x1024xi1>, vector<4x8x1024xi32>
    %reduce_min3A_199 = arith.constant dense<2147483647> : vector<4xi32>
    %reduce_min3A_200 = vector.multi_reduction <minsi>, %select_n3A_198, %reduce_min3A_199 [1, 2] : vector<4x8x1024xi32> to vector<4xi32>
    %broadcast_in_dim3A_201 = vector.shape_cast %reduce_min3A_200 : vector<4xi32> to vector<4x1x1xi32>
    %reshape3A_202 = vector.shape_cast %broadcast_in_dim3A_201 : vector<4x1x1xi32> to vector<4x1xi32>
    %add3A_203 = arith.addi %reshape3A_202, %mul3A_6 : vector<4x1xi32>
    %swap3A_204 = arith.constant 0 : index
    %swap3A_205 = arith.constant 6 : index
    %swap3A_206 = vector.load %arg2[%swap3A_204, %swap3A_205] : memref<4x32xi32, #tpu.memory_space<vmem>>, vector<4x1xi32>
    tpu.vector_store %arg2[%swap3A_204, %swap3A_205], %add3A_203 {strides = array<i32>} : memref<4x32xi32, #tpu.memory_space<vmem>>, vector<4x1xi32>,
    %gt3A_207 = arith.constant -2139095041 : i32
    %gt3A_208 = vector.broadcast %gt3A_207 : i32 to vector<4x1x1xi32>
    %gt3A_209 = arith.cmpi sgt, %broadcast_in_dim3A_193, %gt3A_208 : vector<4x1x1xi32>
    %convert_element_type3A_210 = arith.extui %gt3A_209 : vector<4x1x1xi1> to vector<4x1x1xi32>
    %convert_element_type3A_211 = arith.sitofp %convert_element_type3A_210 : vector<4x1x1xi32> to vector<4x1x1xf32>
    %reshape3A_212 = vector.shape_cast %convert_element_type3A_211 : vector<4x1x1xf32> to vector<4x1xf32>
    %swap3A_213 = arith.constant 0 : index
    %swap3A_214 = arith.constant 6 : index
    %swap3A_215 = vector.load %arg3[%swap3A_213, %swap3A_214] : memref<4x32xf32, #tpu.memory_space<vmem>>, vector<4x1xf32>
    tpu.vector_store %arg3[%swap3A_213, %swap3A_214], %reshape3A_212 {strides = array<i32>} : memref<4x32xf32, #tpu.memory_space<vmem>>, vector<4x1xf32>,
    %eq3A_216 = vector.broadcast %broadcast_in_dim3A_201 : vector<4x1x1xi32> to vector<4x8x1024xi32>
    %eq3A_217 = arith.cmpi eq, %add3A, %eq3A_216 : vector<4x8x1024xi32>
    %jit3A_218 = arith.constant -2147483648 : i32
    %broadcast_in_dim3A_219 = vector.broadcast %jit3A_218 : i32 to vector<4x8x1024xi32>
    %select_n3A_220 = arith.select %eq3A_217, %broadcast_in_dim3A_219, %select_n3A_190 : vector<4x8x1024xi1>, vector<4x8x1024xi32>
    %reduce_max3A_221 = arith.constant dense<-2147483648> : vector<4xi32>
    %reduce_max3A_222 = vector.multi_reduction <maxsi>, %select_n3A_220, %reduce_max3A_221 [1, 2] : vector<4x8x1024xi32> to vector<4xi32>
    %broadcast_in_dim3A_223 = vector.shape_cast %reduce_max3A_222 : vector<4xi32> to vector<4x1x1xi32>
    %eq3A_224 = vector.broadcast %broadcast_in_dim3A_223 : vector<4x1x1xi32> to vector<4x8x1024xi32>
    %eq3A_225 = arith.cmpi eq, %select_n3A_220, %eq3A_224 : vector<4x8x1024xi32>
    %jit3A_226 = arith.constant 8192 : i32
    %broadcast_in_dim3A_227 = vector.broadcast %jit3A_226 : i32 to vector<4x8x1024xi32>
    %select_n3A_228 = arith.select %eq3A_225, %add3A, %broadcast_in_dim3A_227 : vector<4x8x1024xi1>, vector<4x8x1024xi32>
    %reduce_min3A_229 = arith.constant dense<2147483647> : vector<4xi32>
    %reduce_min3A_230 = vector.multi_reduction <minsi>, %select_n3A_228, %reduce_min3A_229 [1, 2] : vector<4x8x1024xi32> to vector<4xi32>
    %broadcast_in_dim3A_231 = vector.shape_cast %reduce_min3A_230 : vector<4xi32> to vector<4x1x1xi32>
    %reshape3A_232 = vector.shape_cast %broadcast_in_dim3A_231 : vector<4x1x1xi32> to vector<4x1xi32>
    %add3A_233 = arith.addi %reshape3A_232, %mul3A_6 : vector<4x1xi32>
    %swap3A_234 = arith.constant 0 : index
    %swap3A_235 = arith.constant 7 : index
    %swap3A_236 = vector.load %arg2[%swap3A_234, %swap3A_235] : memref<4x32xi32, #tpu.memory_space<vmem>>, vector<4x1xi32>
    tpu.vector_store %arg2[%swap3A_234, %swap3A_235], %add3A_233 {strides = array<i32>} : memref<4x32xi32, #tpu.memory_space<vmem>>, vector<4x1xi32>,
    %gt3A_237 = arith.constant -2139095041 : i32
    %gt3A_238 = vector.broadcast %gt3A_237 : i32 to vector<4x1x1xi32>
    %gt3A_239 = arith.cmpi sgt, %broadcast_in_dim3A_223, %gt3A_238 : vector<4x1x1xi32>
    %convert_element_type3A_240 = arith.extui %gt3A_239 : vector<4x1x1xi1> to vector<4x1x1xi32>
    %convert_element_type3A_241 = arith.sitofp %convert_element_type3A_240 : vector<4x1x1xi32> to vector<4x1x1xf32>
    %reshape3A_242 = vector.shape_cast %convert_element_type3A_241 : vector<4x1x1xf32> to vector<4x1xf32>
    %swap3A_243 = arith.constant 0 : index
    %swap3A_244 = arith.constant 7 : index
    %swap3A_245 = vector.load %arg3[%swap3A_243, %swap3A_244] : memref<4x32xf32, #tpu.memory_space<vmem>>, vector<4x1xf32>
    tpu.vector_store %arg3[%swap3A_243, %swap3A_244], %reshape3A_242 {strides = array<i32>} : memref<4x32xf32, #tpu.memory_space<vmem>>, vector<4x1xf32>,
    %eq3A_246 = vector.broadcast %broadcast_in_dim3A_231 : vector<4x1x1xi32> to vector<4x8x1024xi32>
    %eq3A_247 = arith.cmpi eq, %add3A, %eq3A_246 : vector<4x8x1024xi32>
    %jit3A_248 = arith.constant -2147483648 : i32
    %broadcast_in_dim3A_249 = vector.broadcast %jit3A_248 : i32 to vector<4x8x1024xi32>
    %select_n3A_250 = arith.select %eq3A_247, %broadcast_in_dim3A_249, %select_n3A_220 : vector<4x8x1024xi1>, vector<4x8x1024xi32>
    %reduce_max3A_251 = arith.constant dense<-2147483648> : vector<4xi32>
    %reduce_max3A_252 = vector.multi_reduction <maxsi>, %select_n3A_250, %reduce_max3A_251 [1, 2] : vector<4x8x1024xi32> to vector<4xi32>
    %broadcast_in_dim3A_253 = vector.shape_cast %reduce_max3A_252 : vector<4xi32> to vector<4x1x1xi32>
    %eq3A_254 = vector.broadcast %broadcast_in_dim3A_253 : vector<4x1x1xi32> to vector<4x8x1024xi32>
    %eq3A_255 = arith.cmpi eq, %select_n3A_250, %eq3A_254 : vector<4x8x1024xi32>
    %jit3A_256 = arith.constant 8192 : i32
    %broadcast_in_dim3A_257 = vector.broadcast %jit3A_256 : i32 to vector<4x8x1024xi32>
    %select_n3A_258 = arith.select %eq3A_255, %add3A, %broadcast_in_dim3A_257 : vector<4x8x1024xi1>, vector<4x8x1024xi32>
    %reduce_min3A_259 = arith.constant dense<2147483647> : vector<4xi32>
    %reduce_min3A_260 = vector.multi_reduction <minsi>, %select_n3A_258, %reduce_min3A_259 [1, 2] : vector<4x8x1024xi32> to vector<4xi32>
    %broadcast_in_dim3A_261 = vector.shape_cast %reduce_min3A_260 : vector<4xi32> to vector<4x1x1xi32>
    %reshape3A_262 = vector.shape_cast %broadcast_in_dim3A_261 : vector<4x1x1xi32> to vector<4x1xi32>
    %add3A_263 = arith.addi %reshape3A_262, %mul3A_6 : vector<4x1xi32>
    %swap3A_264 = arith.constant 0 : index
    %swap3A_265 = arith.constant 8 : index
    %swap3A_266 = vector.load %arg2[%swap3A_264, %swap3A_265] : memref<4x32xi32, #tpu.memory_space<vmem>>, vector<4x1xi32>
    tpu.vector_store %arg2[%swap3A_264, %swap3A_265], %add3A_263 {strides = array<i32>} : memref<4x32xi32, #tpu.memory_space<vmem>>, vector<4x1xi32>,
    %gt3A_267 = arith.constant -2139095041 : i32
    %gt3A_268 = vector.broadcast %gt3A_267 : i32 to vector<4x1x1xi32>
    %gt3A_269 = arith.cmpi sgt, %broadcast_in_dim3A_253, %gt3A_268 : vector<4x1x1xi32>
    %convert_element_type3A_270 = arith.extui %gt3A_269 : vector<4x1x1xi1> to vector<4x1x1xi32>
    %convert_element_type3A_271 = arith.sitofp %convert_element_type3A_270 : vector<4x1x1xi32> to vector<4x1x1xf32>
    %reshape3A_272 = vector.shape_cast %convert_element_type3A_271 : vector<4x1x1xf32> to vector<4x1xf32>
    %swap3A_273 = arith.constant 0 : index
    %swap3A_274 = arith.constant 8 : index
    %swap3A_275 = vector.load %arg3[%swap3A_273, %swap3A_274] : memref<4x32xf32, #tpu.memory_space<vmem>>, vector<4x1xf32>
    tpu.vector_store %arg3[%swap3A_273, %swap3A_274], %reshape3A_272 {strides = array<i32>} : memref<4x32xf32, #tpu.memory_space<vmem>>, vector<4x1xf32>,
    %eq3A_276 = vector.broadcast %broadcast_in_dim3A_261 : vector<4x1x1xi32> to vector<4x8x1024xi32>
    %eq3A_277 = arith.cmpi eq, %add3A, %eq3A_276 : vector<4x8x1024xi32>
    %jit3A_278 = arith.constant -2147483648 : i32
    %broadcast_in_dim3A_279 = vector.broadcast %jit3A_278 : i32 to vector<4x8x1024xi32>
    %select_n3A_280 = arith.select %eq3A_277, %broadcast_in_dim3A_279, %select_n3A_250 : vector<4x8x1024xi1>, vector<4x8x1024xi32>
    %reduce_max3A_281 = arith.constant dense<-2147483648> : vector<4xi32>
    %reduce_max3A_282 = vector.multi_reduction <maxsi>, %select_n3A_280, %reduce_max3A_281 [1, 2] : vector<4x8x1024xi32> to vector<4xi32>
    %broadcast_in_dim3A_283 = vector.shape_cast %reduce_max3A_282 : vector<4xi32> to vector<4x1x1xi32>
    %eq3A_284 = vector.broadcast %broadcast_in_dim3A_283 : vector<4x1x1xi32> to vector<4x8x1024xi32>
    %eq3A_285 = arith.cmpi eq, %select_n3A_280, %eq3A_284 : vector<4x8x1024xi32>
    %jit3A_286 = arith.constant 8192 : i32
    %broadcast_in_dim3A_287 = vector.broadcast %jit3A_286 : i32 to vector<4x8x1024xi32>
    %select_n3A_288 = arith.select %eq3A_285, %add3A, %broadcast_in_dim3A_287 : vector<4x8x1024xi1>, vector<4x8x1024xi32>
    %reduce_min3A_289 = arith.constant dense<2147483647> : vector<4xi32>
    %reduce_min3A_290 = vector.multi_reduction <minsi>, %select_n3A_288, %reduce_min3A_289 [1, 2] : vector<4x8x1024xi32> to vector<4xi32>
    %broadcast_in_dim3A_291 = vector.shape_cast %reduce_min3A_290 : vector<4xi32> to vector<4x1x1xi32>
    %reshape3A_292 = vector.shape_cast %broadcast_in_dim3A_291 : vector<4x1x1xi32> to vector<4x1xi32>
    %add3A_293 = arith.addi %reshape3A_292, %mul3A_6 : vector<4x1xi32>
    %swap3A_294 = arith.constant 0 : index
    %swap3A_295 = arith.constant 9 : index
    %swap3A_296 = vector.load %arg2[%swap3A_294, %swap3A_295] : memref<4x32xi32, #tpu.memory_space<vmem>>, vector<4x1xi32>
    tpu.vector_store %arg2[%swap3A_294, %swap3A_295], %add3A_293 {strides = array<i32>} : memref<4x32xi32, #tpu.memory_space<vmem>>, vector<4x1xi32>,
    %gt3A_297 = arith.constant -2139095041 : i32
    %gt3A_298 = vector.broadcast %gt3A_297 : i32 to vector<4x1x1xi32>
    %gt3A_299 = arith.cmpi sgt, %broadcast_in_dim3A_283, %gt3A_298 : vector<4x1x1xi32>
    %convert_element_type3A_300 = arith.extui %gt3A_299 : vector<4x1x1xi1> to vector<4x1x1xi32>
    %convert_element_type3A_301 = arith.sitofp %convert_element_type3A_300 : vector<4x1x1xi32> to vector<4x1x1xf32>
    %reshape3A_302 = vector.shape_cast %convert_element_type3A_301 : vector<4x1x1xf32> to vector<4x1xf32>
    %swap3A_303 = arith.constant 0 : index
    %swap3A_304 = arith.constant 9 : index
    %swap3A_305 = vector.load %arg3[%swap3A_303, %swap3A_304] : memref<4x32xf32, #tpu.memory_space<vmem>>, vector<4x1xf32>
    tpu.vector_store %arg3[%swap3A_303, %swap3A_304], %reshape3A_302 {strides = array<i32>} : memref<4x32xf32, #tpu.memory_space<vmem>>, vector<4x1xf32>,
    %eq3A_306 = vector.broadcast %broadcast_in_dim3A_291 : vector<4x1x1xi32> to vector<4x8x1024xi32>
    %eq3A_307 = arith.cmpi eq, %add3A, %eq3A_306 : vector<4x8x1024xi32>
    %jit3A_308 = arith.constant -2147483648 : i32
    %broadcast_in_dim3A_309 = vector.broadcast %jit3A_308 : i32 to vector<4x8x1024xi32>
    %select_n3A_310 = arith.select %eq3A_307, %broadcast_in_dim3A_309, %select_n3A_280 : vector<4x8x1024xi1>, vector<4x8x1024xi32>
    %reduce_max3A_311 = arith.constant dense<-2147483648> : vector<4xi32>
    %reduce_max3A_312 = vector.multi_reduction <maxsi>, %select_n3A_310, %reduce_max3A_311 [1, 2] : vector<4x8x1024xi32> to vector<4xi32>
    %broadcast_in_dim3A_313 = vector.shape_cast %reduce_max3A_312 : vector<4xi32> to vector<4x1x1xi32>
    %eq3A_314 = vector.broadcast %broadcast_in_dim3A_313 : vector<4x1x1xi32> to vector<4x8x1024xi32>
    %eq3A_315 = arith.cmpi eq, %select_n3A_310, %eq3A_314 : vector<4x8x1024xi32>
    %jit3A_316 = arith.constant 8192 : i32
    %broadcast_in_dim3A_317 = vector.broadcast %jit3A_316 : i32 to vector<4x8x1024xi32>
    %select_n3A_318 = arith.select %eq3A_315, %add3A, %broadcast_in_dim3A_317 : vector<4x8x1024xi1>, vector<4x8x1024xi32>
    %reduce_min3A_319 = arith.constant dense<2147483647> : vector<4xi32>
    %reduce_min3A_320 = vector.multi_reduction <minsi>, %select_n3A_318, %reduce_min3A_319 [1, 2] : vector<4x8x1024xi32> to vector<4xi32>
    %broadcast_in_dim3A_321 = vector.shape_cast %reduce_min3A_320 : vector<4xi32> to vector<4x1x1xi32>
    %reshape3A_322 = vector.shape_cast %broadcast_in_dim3A_321 : vector<4x1x1xi32> to vector<4x1xi32>
    %add3A_323 = arith.addi %reshape3A_322, %mul3A_6 : vector<4x1xi32>
    %swap3A_324 = arith.constant 0 : index
    %swap3A_325 = arith.constant 10 : index
    %swap3A_326 = vector.load %arg2[%swap3A_324, %swap3A_325] : memref<4x32xi32, #tpu.memory_space<vmem>>, vector<4x1xi32>
    tpu.vector_store %arg2[%swap3A_324, %swap3A_325], %add3A_323 {strides = array<i32>} : memref<4x32xi32, #tpu.memory_space<vmem>>, vector<4x1xi32>,
    %gt3A_327 = arith.constant -2139095041 : i32
    %gt3A_328 = vector.broadcast %gt3A_327 : i32 to vector<4x1x1xi32>
    %gt3A_329 = arith.cmpi sgt, %broadcast_in_dim3A_313, %gt3A_328 : vector<4x1x1xi32>
    %convert_element_type3A_330 = arith.extui %gt3A_329 : vector<4x1x1xi1> to vector<4x1x1xi32>
    %convert_element_type3A_331 = arith.sitofp %convert_element_type3A_330 : vector<4x1x1xi32> to vector<4x1x1xf32>
    %reshape3A_332 = vector.shape_cast %convert_element_type3A_331 : vector<4x1x1xf32> to vector<4x1xf32>
    %swap3A_333 = arith.constant 0 : index
    %swap3A_334 = arith.constant 10 : index
    %swap3A_335 = vector.load %arg3[%swap3A_333, %swap3A_334] : memref<4x32xf32, #tpu.memory_space<vmem>>, vector<4x1xf32>
    tpu.vector_store %arg3[%swap3A_333, %swap3A_334], %reshape3A_332 {strides = array<i32>} : memref<4x32xf32, #tpu.memory_space<vmem>>, vector<4x1xf32>,
    %eq3A_336 = vector.broadcast %broadcast_in_dim3A_321 : vector<4x1x1xi32> to vector<4x8x1024xi32>
    %eq3A_337 = arith.cmpi eq, %add3A, %eq3A_336 : vector<4x8x1024xi32>
    %jit3A_338 = arith.constant -2147483648 : i32
    %broadcast_in_dim3A_339 = vector.broadcast %jit3A_338 : i32 to vector<4x8x1024xi32>
    %select_n3A_340 = arith.select %eq3A_337, %broadcast_in_dim3A_339, %select_n3A_310 : vector<4x8x1024xi1>, vector<4x8x1024xi32>
    %reduce_max3A_341 = arith.constant dense<-2147483648> : vector<4xi32>
    %reduce_max3A_342 = vector.multi_reduction <maxsi>, %select_n3A_340, %reduce_max3A_341 [1, 2] : vector<4x8x1024xi32> to vector<4xi32>
    %broadcast_in_dim3A_343 = vector.shape_cast %reduce_max3A_342 : vector<4xi32> to vector<4x1x1xi32>
    %eq3A_344 = vector.broadcast %broadcast_in_dim3A_343 : vector<4x1x1xi32> to vector<4x8x1024xi32>
    %eq3A_345 = arith.cmpi eq, %select_n3A_340, %eq3A_344 : vector<4x8x1024xi32>
    %jit3A_346 = arith.constant 8192 : i32
    %broadcast_in_dim3A_347 = vector.broadcast %jit3A_346 : i32 to vector<4x8x1024xi32>
    %select_n3A_348 = arith.select %eq3A_345, %add3A, %broadcast_in_dim3A_347 : vector<4x8x1024xi1>, vector<4x8x1024xi32>
    %reduce_min3A_349 = arith.constant dense<2147483647> : vector<4xi32>
    %reduce_min3A_350 = vector.multi_reduction <minsi>, %select_n3A_348, %reduce_min3A_349 [1, 2] : vector<4x8x1024xi32> to vector<4xi32>
    %broadcast_in_dim3A_351 = vector.shape_cast %reduce_min3A_350 : vector<4xi32> to vector<4x1x1xi32>
    %reshape3A_352 = vector.shape_cast %broadcast_in_dim3A_351 : vector<4x1x1xi32> to vector<4x1xi32>
    %add3A_353 = arith.addi %reshape3A_352, %mul3A_6 : vector<4x1xi32>
    %swap3A_354 = arith.constant 0 : index
    %swap3A_355 = arith.constant 11 : index
    %swap3A_356 = vector.load %arg2[%swap3A_354, %swap3A_355] : memref<4x32xi32, #tpu.memory_space<vmem>>, vector<4x1xi32>
    tpu.vector_store %arg2[%swap3A_354, %swap3A_355], %add3A_353 {strides = array<i32>} : memref<4x32xi32, #tpu.memory_space<vmem>>, vector<4x1xi32>,
    %gt3A_357 = arith.constant -2139095041 : i32
    %gt3A_358 = vector.broadcast %gt3A_357 : i32 to vector<4x1x1xi32>
    %gt3A_359 = arith.cmpi sgt, %broadcast_in_dim3A_343, %gt3A_358 : vector<4x1x1xi32>
    %convert_element_type3A_360 = arith.extui %gt3A_359 : vector<4x1x1xi1> to vector<4x1x1xi32>
    %convert_element_type3A_361 = arith.sitofp %convert_element_type3A_360 : vector<4x1x1xi32> to vector<4x1x1xf32>
    %reshape3A_362 = vector.shape_cast %convert_element_type3A_361 : vector<4x1x1xf32> to vector<4x1xf32>
    %swap3A_363 = arith.constant 0 : index
    %swap3A_364 = arith.constant 11 : index
    %swap3A_365 = vector.load %arg3[%swap3A_363, %swap3A_364] : memref<4x32xf32, #tpu.memory_space<vmem>>, vector<4x1xf32>
    tpu.vector_store %arg3[%swap3A_363, %swap3A_364], %reshape3A_362 {strides = array<i32>} : memref<4x32xf32, #tpu.memory_space<vmem>>, vector<4x1xf32>,
    %eq3A_366 = vector.broadcast %broadcast_in_dim3A_351 : vector<4x1x1xi32> to vector<4x8x1024xi32>
    %eq3A_367 = arith.cmpi eq, %add3A, %eq3A_366 : vector<4x8x1024xi32>
    %jit3A_368 = arith.constant -2147483648 : i32
    %broadcast_in_dim3A_369 = vector.broadcast %jit3A_368 : i32 to vector<4x8x1024xi32>
    %select_n3A_370 = arith.select %eq3A_367, %broadcast_in_dim3A_369, %select_n3A_340 : vector<4x8x1024xi1>, vector<4x8x1024xi32>
    %reduce_max3A_371 = arith.constant dense<-2147483648> : vector<4xi32>
    %reduce_max3A_372 = vector.multi_reduction <maxsi>, %select_n3A_370, %reduce_max3A_371 [1, 2] : vector<4x8x1024xi32> to vector<4xi32>
    %broadcast_in_dim3A_373 = vector.shape_cast %reduce_max3A_372 : vector<4xi32> to vector<4x1x1xi32>
    %eq3A_374 = vector.broadcast %broadcast_in_dim3A_373 : vector<4x1x1xi32> to vector<4x8x1024xi32>
    %eq3A_375 = arith.cmpi eq, %select_n3A_370, %eq3A_374 : vector<4x8x1024xi32>
    %jit3A_376 = arith.constant 8192 : i32
    %broadcast_in_dim3A_377 = vector.broadcast %jit3A_376 : i32 to vector<4x8x1024xi32>
    %select_n3A_378 = arith.select %eq3A_375, %add3A, %broadcast_in_dim3A_377 : vector<4x8x1024xi1>, vector<4x8x1024xi32>
    %reduce_min3A_379 = arith.constant dense<2147483647> : vector<4xi32>
    %reduce_min3A_380 = vector.multi_reduction <minsi>, %select_n3A_378, %reduce_min3A_379 [1, 2] : vector<4x8x1024xi32> to vector<4xi32>
    %broadcast_in_dim3A_381 = vector.shape_cast %reduce_min3A_380 : vector<4xi32> to vector<4x1x1xi32>
    %reshape3A_382 = vector.shape_cast %broadcast_in_dim3A_381 : vector<4x1x1xi32> to vector<4x1xi32>
    %add3A_383 = arith.addi %reshape3A_382, %mul3A_6 : vector<4x1xi32>
    %swap3A_384 = arith.constant 0 : index
    %swap3A_385 = arith.constant 12 : index
    %swap3A_386 = vector.load %arg2[%swap3A_384, %swap3A_385] : memref<4x32xi32, #tpu.memory_space<vmem>>, vector<4x1xi32>
    tpu.vector_store %arg2[%swap3A_384, %swap3A_385], %add3A_383 {strides = array<i32>} : memref<4x32xi32, #tpu.memory_space<vmem>>, vector<4x1xi32>,
    %gt3A_387 = arith.constant -2139095041 : i32
    %gt3A_388 = vector.broadcast %gt3A_387 : i32 to vector<4x1x1xi32>
    %gt3A_389 = arith.cmpi sgt, %broadcast_in_dim3A_373, %gt3A_388 : vector<4x1x1xi32>
    %convert_element_type3A_390 = arith.extui %gt3A_389 : vector<4x1x1xi1> to vector<4x1x1xi32>
    %convert_element_type3A_391 = arith.sitofp %convert_element_type3A_390 : vector<4x1x1xi32> to vector<4x1x1xf32>
    %reshape3A_392 = vector.shape_cast %convert_element_type3A_391 : vector<4x1x1xf32> to vector<4x1xf32>
    %swap3A_393 = arith.constant 0 : index
    %swap3A_394 = arith.constant 12 : index
    %swap3A_395 = vector.load %arg3[%swap3A_393, %swap3A_394] : memref<4x32xf32, #tpu.memory_space<vmem>>, vector<4x1xf32>
    tpu.vector_store %arg3[%swap3A_393, %swap3A_394], %reshape3A_392 {strides = array<i32>} : memref<4x32xf32, #tpu.memory_space<vmem>>, vector<4x1xf32>,
    %eq3A_396 = vector.broadcast %broadcast_in_dim3A_381 : vector<4x1x1xi32> to vector<4x8x1024xi32>
    %eq3A_397 = arith.cmpi eq, %add3A, %eq3A_396 : vector<4x8x1024xi32>
    %jit3A_398 = arith.constant -2147483648 : i32
    %broadcast_in_dim3A_399 = vector.broadcast %jit3A_398 : i32 to vector<4x8x1024xi32>
    %select_n3A_400 = arith.select %eq3A_397, %broadcast_in_dim3A_399, %select_n3A_370 : vector<4x8x1024xi1>, vector<4x8x1024xi32>
    %reduce_max3A_401 = arith.constant dense<-2147483648> : vector<4xi32>
    %reduce_max3A_402 = vector.multi_reduction <maxsi>, %select_n3A_400, %reduce_max3A_401 [1, 2] : vector<4x8x1024xi32> to vector<4xi32>
    %broadcast_in_dim3A_403 = vector.shape_cast %reduce_max3A_402 : vector<4xi32> to vector<4x1x1xi32>
    %eq3A_404 = vector.broadcast %broadcast_in_dim3A_403 : vector<4x1x1xi32> to vector<4x8x1024xi32>
    %eq3A_405 = arith.cmpi eq, %select_n3A_400, %eq3A_404 : vector<4x8x1024xi32>
    %jit3A_406 = arith.constant 8192 : i32
    %broadcast_in_dim3A_407 = vector.broadcast %jit3A_406 : i32 to vector<4x8x1024xi32>
    %select_n3A_408 = arith.select %eq3A_405, %add3A, %broadcast_in_dim3A_407 : vector<4x8x1024xi1>, vector<4x8x1024xi32>
    %reduce_min3A_409 = arith.constant dense<2147483647> : vector<4xi32>
    %reduce_min3A_410 = vector.multi_reduction <minsi>, %select_n3A_408, %reduce_min3A_409 [1, 2] : vector<4x8x1024xi32> to vector<4xi32>
    %broadcast_in_dim3A_411 = vector.shape_cast %reduce_min3A_410 : vector<4xi32> to vector<4x1x1xi32>
    %reshape3A_412 = vector.shape_cast %broadcast_in_dim3A_411 : vector<4x1x1xi32> to vector<4x1xi32>
    %add3A_413 = arith.addi %reshape3A_412, %mul3A_6 : vector<4x1xi32>
    %swap3A_414 = arith.constant 0 : index
    %swap3A_415 = arith.constant 13 : index
    %swap3A_416 = vector.load %arg2[%swap3A_414, %swap3A_415] : memref<4x32xi32, #tpu.memory_space<vmem>>, vector<4x1xi32>
    tpu.vector_store %arg2[%swap3A_414, %swap3A_415], %add3A_413 {strides = array<i32>} : memref<4x32xi32, #tpu.memory_space<vmem>>, vector<4x1xi32>,
    %gt3A_417 = arith.constant -2139095041 : i32
    %gt3A_418 = vector.broadcast %gt3A_417 : i32 to vector<4x1x1xi32>
    %gt3A_419 = arith.cmpi sgt, %broadcast_in_dim3A_403, %gt3A_418 : vector<4x1x1xi32>
    %convert_element_type3A_420 = arith.extui %gt3A_419 : vector<4x1x1xi1> to vector<4x1x1xi32>
    %convert_element_type3A_421 = arith.sitofp %convert_element_type3A_420 : vector<4x1x1xi32> to vector<4x1x1xf32>
    %reshape3A_422 = vector.shape_cast %convert_element_type3A_421 : vector<4x1x1xf32> to vector<4x1xf32>
    %swap3A_423 = arith.constant 0 : index
    %swap3A_424 = arith.constant 13 : index
    %swap3A_425 = vector.load %arg3[%swap3A_423, %swap3A_424] : memref<4x32xf32, #tpu.memory_space<vmem>>, vector<4x1xf32>
    tpu.vector_store %arg3[%swap3A_423, %swap3A_424], %reshape3A_422 {strides = array<i32>} : memref<4x32xf32, #tpu.memory_space<vmem>>, vector<4x1xf32>,
    %eq3A_426 = vector.broadcast %broadcast_in_dim3A_411 : vector<4x1x1xi32> to vector<4x8x1024xi32>
    %eq3A_427 = arith.cmpi eq, %add3A, %eq3A_426 : vector<4x8x1024xi32>
    %jit3A_428 = arith.constant -2147483648 : i32
    %broadcast_in_dim3A_429 = vector.broadcast %jit3A_428 : i32 to vector<4x8x1024xi32>
    %select_n3A_430 = arith.select %eq3A_427, %broadcast_in_dim3A_429, %select_n3A_400 : vector<4x8x1024xi1>, vector<4x8x1024xi32>
    %reduce_max3A_431 = arith.constant dense<-2147483648> : vector<4xi32>
    %reduce_max3A_432 = vector.multi_reduction <maxsi>, %select_n3A_430, %reduce_max3A_431 [1, 2] : vector<4x8x1024xi32> to vector<4xi32>
    %broadcast_in_dim3A_433 = vector.shape_cast %reduce_max3A_432 : vector<4xi32> to vector<4x1x1xi32>
    %eq3A_434 = vector.broadcast %broadcast_in_dim3A_433 : vector<4x1x1xi32> to vector<4x8x1024xi32>
    %eq3A_435 = arith.cmpi eq, %select_n3A_430, %eq3A_434 : vector<4x8x1024xi32>
    %jit3A_436 = arith.constant 8192 : i32
    %broadcast_in_dim3A_437 = vector.broadcast %jit3A_436 : i32 to vector<4x8x1024xi32>
    %select_n3A_438 = arith.select %eq3A_435, %add3A, %broadcast_in_dim3A_437 : vector<4x8x1024xi1>, vector<4x8x1024xi32>
    %reduce_min3A_439 = arith.constant dense<2147483647> : vector<4xi32>
    %reduce_min3A_440 = vector.multi_reduction <minsi>, %select_n3A_438, %reduce_min3A_439 [1, 2] : vector<4x8x1024xi32> to vector<4xi32>
    %broadcast_in_dim3A_441 = vector.shape_cast %reduce_min3A_440 : vector<4xi32> to vector<4x1x1xi32>
    %reshape3A_442 = vector.shape_cast %broadcast_in_dim3A_441 : vector<4x1x1xi32> to vector<4x1xi32>
    %add3A_443 = arith.addi %reshape3A_442, %mul3A_6 : vector<4x1xi32>
    %swap3A_444 = arith.constant 0 : index
    %swap3A_445 = arith.constant 14 : index
    %swap3A_446 = vector.load %arg2[%swap3A_444, %swap3A_445] : memref<4x32xi32, #tpu.memory_space<vmem>>, vector<4x1xi32>
    tpu.vector_store %arg2[%swap3A_444, %swap3A_445], %add3A_443 {strides = array<i32>} : memref<4x32xi32, #tpu.memory_space<vmem>>, vector<4x1xi32>,
    %gt3A_447 = arith.constant -2139095041 : i32
    %gt3A_448 = vector.broadcast %gt3A_447 : i32 to vector<4x1x1xi32>
    %gt3A_449 = arith.cmpi sgt, %broadcast_in_dim3A_433, %gt3A_448 : vector<4x1x1xi32>
    %convert_element_type3A_450 = arith.extui %gt3A_449 : vector<4x1x1xi1> to vector<4x1x1xi32>
    %convert_element_type3A_451 = arith.sitofp %convert_element_type3A_450 : vector<4x1x1xi32> to vector<4x1x1xf32>
    %reshape3A_452 = vector.shape_cast %convert_element_type3A_451 : vector<4x1x1xf32> to vector<4x1xf32>
    %swap3A_453 = arith.constant 0 : index
    %swap3A_454 = arith.constant 14 : index
    %swap3A_455 = vector.load %arg3[%swap3A_453, %swap3A_454] : memref<4x32xf32, #tpu.memory_space<vmem>>, vector<4x1xf32>
    tpu.vector_store %arg3[%swap3A_453, %swap3A_454], %reshape3A_452 {strides = array<i32>} : memref<4x32xf32, #tpu.memory_space<vmem>>, vector<4x1xf32>,
    %eq3A_456 = vector.broadcast %broadcast_in_dim3A_441 : vector<4x1x1xi32> to vector<4x8x1024xi32>
    %eq3A_457 = arith.cmpi eq, %add3A, %eq3A_456 : vector<4x8x1024xi32>
    %jit3A_458 = arith.constant -2147483648 : i32
    %broadcast_in_dim3A_459 = vector.broadcast %jit3A_458 : i32 to vector<4x8x1024xi32>
    %select_n3A_460 = arith.select %eq3A_457, %broadcast_in_dim3A_459, %select_n3A_430 : vector<4x8x1024xi1>, vector<4x8x1024xi32>
    %reduce_max3A_461 = arith.constant dense<-2147483648> : vector<4xi32>
    %reduce_max3A_462 = vector.multi_reduction <maxsi>, %select_n3A_460, %reduce_max3A_461 [1, 2] : vector<4x8x1024xi32> to vector<4xi32>
    %broadcast_in_dim3A_463 = vector.shape_cast %reduce_max3A_462 : vector<4xi32> to vector<4x1x1xi32>
    %eq3A_464 = vector.broadcast %broadcast_in_dim3A_463 : vector<4x1x1xi32> to vector<4x8x1024xi32>
    %eq3A_465 = arith.cmpi eq, %select_n3A_460, %eq3A_464 : vector<4x8x1024xi32>
    %jit3A_466 = arith.constant 8192 : i32
    %broadcast_in_dim3A_467 = vector.broadcast %jit3A_466 : i32 to vector<4x8x1024xi32>
    %select_n3A_468 = arith.select %eq3A_465, %add3A, %broadcast_in_dim3A_467 : vector<4x8x1024xi1>, vector<4x8x1024xi32>
    %reduce_min3A_469 = arith.constant dense<2147483647> : vector<4xi32>
    %reduce_min3A_470 = vector.multi_reduction <minsi>, %select_n3A_468, %reduce_min3A_469 [1, 2] : vector<4x8x1024xi32> to vector<4xi32>
    %broadcast_in_dim3A_471 = vector.shape_cast %reduce_min3A_470 : vector<4xi32> to vector<4x1x1xi32>
    %reshape3A_472 = vector.shape_cast %broadcast_in_dim3A_471 : vector<4x1x1xi32> to vector<4x1xi32>
    %add3A_473 = arith.addi %reshape3A_472, %mul3A_6 : vector<4x1xi32>
    %swap3A_474 = arith.constant 0 : index
    %swap3A_475 = arith.constant 15 : index
    %swap3A_476 = vector.load %arg2[%swap3A_474, %swap3A_475] : memref<4x32xi32, #tpu.memory_space<vmem>>, vector<4x1xi32>
    tpu.vector_store %arg2[%swap3A_474, %swap3A_475], %add3A_473 {strides = array<i32>} : memref<4x32xi32, #tpu.memory_space<vmem>>, vector<4x1xi32>,
    %gt3A_477 = arith.constant -2139095041 : i32
    %gt3A_478 = vector.broadcast %gt3A_477 : i32 to vector<4x1x1xi32>
    %gt3A_479 = arith.cmpi sgt, %broadcast_in_dim3A_463, %gt3A_478 : vector<4x1x1xi32>
    %convert_element_type3A_480 = arith.extui %gt3A_479 : vector<4x1x1xi1> to vector<4x1x1xi32>
    %convert_element_type3A_481 = arith.sitofp %convert_element_type3A_480 : vector<4x1x1xi32> to vector<4x1x1xf32>
    %reshape3A_482 = vector.shape_cast %convert_element_type3A_481 : vector<4x1x1xf32> to vector<4x1xf32>
    %swap3A_483 = arith.constant 0 : index
    %swap3A_484 = arith.constant 15 : index
    %swap3A_485 = vector.load %arg3[%swap3A_483, %swap3A_484] : memref<4x32xf32, #tpu.memory_space<vmem>>, vector<4x1xf32>
    tpu.vector_store %arg3[%swap3A_483, %swap3A_484], %reshape3A_482 {strides = array<i32>} : memref<4x32xf32, #tpu.memory_space<vmem>>, vector<4x1xf32>,
    %eq3A_486 = vector.broadcast %broadcast_in_dim3A_471 : vector<4x1x1xi32> to vector<4x8x1024xi32>
    %eq3A_487 = arith.cmpi eq, %add3A, %eq3A_486 : vector<4x8x1024xi32>
    %jit3A_488 = arith.constant -2147483648 : i32
    %broadcast_in_dim3A_489 = vector.broadcast %jit3A_488 : i32 to vector<4x8x1024xi32>
    %select_n3A_490 = arith.select %eq3A_487, %broadcast_in_dim3A_489, %select_n3A_460 : vector<4x8x1024xi1>, vector<4x8x1024xi32>
    %reduce_max3A_491 = arith.constant dense<-2147483648> : vector<4xi32>
    %reduce_max3A_492 = vector.multi_reduction <maxsi>, %select_n3A_490, %reduce_max3A_491 [1, 2] : vector<4x8x1024xi32> to vector<4xi32>
    %broadcast_in_dim3A_493 = vector.shape_cast %reduce_max3A_492 : vector<4xi32> to vector<4x1x1xi32>
    %eq3A_494 = vector.broadcast %broadcast_in_dim3A_493 : vector<4x1x1xi32> to vector<4x8x1024xi32>
    %eq3A_495 = arith.cmpi eq, %select_n3A_490, %eq3A_494 : vector<4x8x1024xi32>
    %jit3A_496 = arith.constant 8192 : i32
    %broadcast_in_dim3A_497 = vector.broadcast %jit3A_496 : i32 to vector<4x8x1024xi32>
    %select_n3A_498 = arith.select %eq3A_495, %add3A, %broadcast_in_dim3A_497 : vector<4x8x1024xi1>, vector<4x8x1024xi32>
    %reduce_min3A_499 = arith.constant dense<2147483647> : vector<4xi32>
    %reduce_min3A_500 = vector.multi_reduction <minsi>, %select_n3A_498, %reduce_min3A_499 [1, 2] : vector<4x8x1024xi32> to vector<4xi32>
    %broadcast_in_dim3A_501 = vector.shape_cast %reduce_min3A_500 : vector<4xi32> to vector<4x1x1xi32>
    %reshape3A_502 = vector.shape_cast %broadcast_in_dim3A_501 : vector<4x1x1xi32> to vector<4x1xi32>
    %add3A_503 = arith.addi %reshape3A_502, %mul3A_6 : vector<4x1xi32>
    %swap3A_504 = arith.constant 0 : index
    %swap3A_505 = arith.constant 16 : index
    %swap3A_506 = vector.load %arg2[%swap3A_504, %swap3A_505] : memref<4x32xi32, #tpu.memory_space<vmem>>, vector<4x1xi32>
    tpu.vector_store %arg2[%swap3A_504, %swap3A_505], %add3A_503 {strides = array<i32>} : memref<4x32xi32, #tpu.memory_space<vmem>>, vector<4x1xi32>,
    %gt3A_507 = arith.constant -2139095041 : i32
    %gt3A_508 = vector.broadcast %gt3A_507 : i32 to vector<4x1x1xi32>
    %gt3A_509 = arith.cmpi sgt, %broadcast_in_dim3A_493, %gt3A_508 : vector<4x1x1xi32>
    %convert_element_type3A_510 = arith.extui %gt3A_509 : vector<4x1x1xi1> to vector<4x1x1xi32>
    %convert_element_type3A_511 = arith.sitofp %convert_element_type3A_510 : vector<4x1x1xi32> to vector<4x1x1xf32>
    %reshape3A_512 = vector.shape_cast %convert_element_type3A_511 : vector<4x1x1xf32> to vector<4x1xf32>
    %swap3A_513 = arith.constant 0 : index
    %swap3A_514 = arith.constant 16 : index
    %swap3A_515 = vector.load %arg3[%swap3A_513, %swap3A_514] : memref<4x32xf32, #tpu.memory_space<vmem>>, vector<4x1xf32>
    tpu.vector_store %arg3[%swap3A_513, %swap3A_514], %reshape3A_512 {strides = array<i32>} : memref<4x32xf32, #tpu.memory_space<vmem>>, vector<4x1xf32>,
    %eq3A_516 = vector.broadcast %broadcast_in_dim3A_501 : vector<4x1x1xi32> to vector<4x8x1024xi32>
    %eq3A_517 = arith.cmpi eq, %add3A, %eq3A_516 : vector<4x8x1024xi32>
    %jit3A_518 = arith.constant -2147483648 : i32
    %broadcast_in_dim3A_519 = vector.broadcast %jit3A_518 : i32 to vector<4x8x1024xi32>
    %select_n3A_520 = arith.select %eq3A_517, %broadcast_in_dim3A_519, %select_n3A_490 : vector<4x8x1024xi1>, vector<4x8x1024xi32>
    %reduce_max3A_521 = arith.constant dense<-2147483648> : vector<4xi32>
    %reduce_max3A_522 = vector.multi_reduction <maxsi>, %select_n3A_520, %reduce_max3A_521 [1, 2] : vector<4x8x1024xi32> to vector<4xi32>
    %broadcast_in_dim3A_523 = vector.shape_cast %reduce_max3A_522 : vector<4xi32> to vector<4x1x1xi32>
    %eq3A_524 = vector.broadcast %broadcast_in_dim3A_523 : vector<4x1x1xi32> to vector<4x8x1024xi32>
    %eq3A_525 = arith.cmpi eq, %select_n3A_520, %eq3A_524 : vector<4x8x1024xi32>
    %jit3A_526 = arith.constant 8192 : i32
    %broadcast_in_dim3A_527 = vector.broadcast %jit3A_526 : i32 to vector<4x8x1024xi32>
    %select_n3A_528 = arith.select %eq3A_525, %add3A, %broadcast_in_dim3A_527 : vector<4x8x1024xi1>, vector<4x8x1024xi32>
    %reduce_min3A_529 = arith.constant dense<2147483647> : vector<4xi32>
    %reduce_min3A_530 = vector.multi_reduction <minsi>, %select_n3A_528, %reduce_min3A_529 [1, 2] : vector<4x8x1024xi32> to vector<4xi32>
    %broadcast_in_dim3A_531 = vector.shape_cast %reduce_min3A_530 : vector<4xi32> to vector<4x1x1xi32>
    %reshape3A_532 = vector.shape_cast %broadcast_in_dim3A_531 : vector<4x1x1xi32> to vector<4x1xi32>
    %add3A_533 = arith.addi %reshape3A_532, %mul3A_6 : vector<4x1xi32>
    %swap3A_534 = arith.constant 0 : index
    %swap3A_535 = arith.constant 17 : index
    %swap3A_536 = vector.load %arg2[%swap3A_534, %swap3A_535] : memref<4x32xi32, #tpu.memory_space<vmem>>, vector<4x1xi32>
    tpu.vector_store %arg2[%swap3A_534, %swap3A_535], %add3A_533 {strides = array<i32>} : memref<4x32xi32, #tpu.memory_space<vmem>>, vector<4x1xi32>,
    %gt3A_537 = arith.constant -2139095041 : i32
    %gt3A_538 = vector.broadcast %gt3A_537 : i32 to vector<4x1x1xi32>
    %gt3A_539 = arith.cmpi sgt, %broadcast_in_dim3A_523, %gt3A_538 : vector<4x1x1xi32>
    %convert_element_type3A_540 = arith.extui %gt3A_539 : vector<4x1x1xi1> to vector<4x1x1xi32>
    %convert_element_type3A_541 = arith.sitofp %convert_element_type3A_540 : vector<4x1x1xi32> to vector<4x1x1xf32>
    %reshape3A_542 = vector.shape_cast %convert_element_type3A_541 : vector<4x1x1xf32> to vector<4x1xf32>
    %swap3A_543 = arith.constant 0 : index
    %swap3A_544 = arith.constant 17 : index
    %swap3A_545 = vector.load %arg3[%swap3A_543, %swap3A_544] : memref<4x32xf32, #tpu.memory_space<vmem>>, vector<4x1xf32>
    tpu.vector_store %arg3[%swap3A_543, %swap3A_544], %reshape3A_542 {strides = array<i32>} : memref<4x32xf32, #tpu.memory_space<vmem>>, vector<4x1xf32>,
    %eq3A_546 = vector.broadcast %broadcast_in_dim3A_531 : vector<4x1x1xi32> to vector<4x8x1024xi32>
    %eq3A_547 = arith.cmpi eq, %add3A, %eq3A_546 : vector<4x8x1024xi32>
    %jit3A_548 = arith.constant -2147483648 : i32
    %broadcast_in_dim3A_549 = vector.broadcast %jit3A_548 : i32 to vector<4x8x1024xi32>
    %select_n3A_550 = arith.select %eq3A_547, %broadcast_in_dim3A_549, %select_n3A_520 : vector<4x8x1024xi1>, vector<4x8x1024xi32>
    %reduce_max3A_551 = arith.constant dense<-2147483648> : vector<4xi32>
    %reduce_max3A_552 = vector.multi_reduction <maxsi>, %select_n3A_550, %reduce_max3A_551 [1, 2] : vector<4x8x1024xi32> to vector<4xi32>
    %broadcast_in_dim3A_553 = vector.shape_cast %reduce_max3A_552 : vector<4xi32> to vector<4x1x1xi32>
    %eq3A_554 = vector.broadcast %broadcast_in_dim3A_553 : vector<4x1x1xi32> to vector<4x8x1024xi32>
    %eq3A_555 = arith.cmpi eq, %select_n3A_550, %eq3A_554 : vector<4x8x1024xi32>
    %jit3A_556 = arith.constant 8192 : i32
    %broadcast_in_dim3A_557 = vector.broadcast %jit3A_556 : i32 to vector<4x8x1024xi32>
    %select_n3A_558 = arith.select %eq3A_555, %add3A, %broadcast_in_dim3A_557 : vector<4x8x1024xi1>, vector<4x8x1024xi32>
    %reduce_min3A_559 = arith.constant dense<2147483647> : vector<4xi32>
    %reduce_min3A_560 = vector.multi_reduction <minsi>, %select_n3A_558, %reduce_min3A_559 [1, 2] : vector<4x8x1024xi32> to vector<4xi32>
    %broadcast_in_dim3A_561 = vector.shape_cast %reduce_min3A_560 : vector<4xi32> to vector<4x1x1xi32>
    %reshape3A_562 = vector.shape_cast %broadcast_in_dim3A_561 : vector<4x1x1xi32> to vector<4x1xi32>
    %add3A_563 = arith.addi %reshape3A_562, %mul3A_6 : vector<4x1xi32>
    %swap3A_564 = arith.constant 0 : index
    %swap3A_565 = arith.constant 18 : index
    %swap3A_566 = vector.load %arg2[%swap3A_564, %swap3A_565] : memref<4x32xi32, #tpu.memory_space<vmem>>, vector<4x1xi32>
    tpu.vector_store %arg2[%swap3A_564, %swap3A_565], %add3A_563 {strides = array<i32>} : memref<4x32xi32, #tpu.memory_space<vmem>>, vector<4x1xi32>,
    %gt3A_567 = arith.constant -2139095041 : i32
    %gt3A_568 = vector.broadcast %gt3A_567 : i32 to vector<4x1x1xi32>
    %gt3A_569 = arith.cmpi sgt, %broadcast_in_dim3A_553, %gt3A_568 : vector<4x1x1xi32>
    %convert_element_type3A_570 = arith.extui %gt3A_569 : vector<4x1x1xi1> to vector<4x1x1xi32>
    %convert_element_type3A_571 = arith.sitofp %convert_element_type3A_570 : vector<4x1x1xi32> to vector<4x1x1xf32>
    %reshape3A_572 = vector.shape_cast %convert_element_type3A_571 : vector<4x1x1xf32> to vector<4x1xf32>
    %swap3A_573 = arith.constant 0 : index
    %swap3A_574 = arith.constant 18 : index
    %swap3A_575 = vector.load %arg3[%swap3A_573, %swap3A_574] : memref<4x32xf32, #tpu.memory_space<vmem>>, vector<4x1xf32>
    tpu.vector_store %arg3[%swap3A_573, %swap3A_574], %reshape3A_572 {strides = array<i32>} : memref<4x32xf32, #tpu.memory_space<vmem>>, vector<4x1xf32>,
    %eq3A_576 = vector.broadcast %broadcast_in_dim3A_561 : vector<4x1x1xi32> to vector<4x8x1024xi32>
    %eq3A_577 = arith.cmpi eq, %add3A, %eq3A_576 : vector<4x8x1024xi32>
    %jit3A_578 = arith.constant -2147483648 : i32
    %broadcast_in_dim3A_579 = vector.broadcast %jit3A_578 : i32 to vector<4x8x1024xi32>
    %select_n3A_580 = arith.select %eq3A_577, %broadcast_in_dim3A_579, %select_n3A_550 : vector<4x8x1024xi1>, vector<4x8x1024xi32>
    %reduce_max3A_581 = arith.constant dense<-2147483648> : vector<4xi32>
    %reduce_max3A_582 = vector.multi_reduction <maxsi>, %select_n3A_580, %reduce_max3A_581 [1, 2] : vector<4x8x1024xi32> to vector<4xi32>
    %broadcast_in_dim3A_583 = vector.shape_cast %reduce_max3A_582 : vector<4xi32> to vector<4x1x1xi32>
    %eq3A_584 = vector.broadcast %broadcast_in_dim3A_583 : vector<4x1x1xi32> to vector<4x8x1024xi32>
    %eq3A_585 = arith.cmpi eq, %select_n3A_580, %eq3A_584 : vector<4x8x1024xi32>
    %jit3A_586 = arith.constant 8192 : i32
    %broadcast_in_dim3A_587 = vector.broadcast %jit3A_586 : i32 to vector<4x8x1024xi32>
    %select_n3A_588 = arith.select %eq3A_585, %add3A, %broadcast_in_dim3A_587 : vector<4x8x1024xi1>, vector<4x8x1024xi32>
    %reduce_min3A_589 = arith.constant dense<2147483647> : vector<4xi32>
    %reduce_min3A_590 = vector.multi_reduction <minsi>, %select_n3A_588, %reduce_min3A_589 [1, 2] : vector<4x8x1024xi32> to vector<4xi32>
    %broadcast_in_dim3A_591 = vector.shape_cast %reduce_min3A_590 : vector<4xi32> to vector<4x1x1xi32>
    %reshape3A_592 = vector.shape_cast %broadcast_in_dim3A_591 : vector<4x1x1xi32> to vector<4x1xi32>
    %add3A_593 = arith.addi %reshape3A_592, %mul3A_6 : vector<4x1xi32>
    %swap3A_594 = arith.constant 0 : index
    %swap3A_595 = arith.constant 19 : index
    %swap3A_596 = vector.load %arg2[%swap3A_594, %swap3A_595] : memref<4x32xi32, #tpu.memory_space<vmem>>, vector<4x1xi32>
    tpu.vector_store %arg2[%swap3A_594, %swap3A_595], %add3A_593 {strides = array<i32>} : memref<4x32xi32, #tpu.memory_space<vmem>>, vector<4x1xi32>,
    %gt3A_597 = arith.constant -2139095041 : i32
    %gt3A_598 = vector.broadcast %gt3A_597 : i32 to vector<4x1x1xi32>
    %gt3A_599 = arith.cmpi sgt, %broadcast_in_dim3A_583, %gt3A_598 : vector<4x1x1xi32>
    %convert_element_type3A_600 = arith.extui %gt3A_599 : vector<4x1x1xi1> to vector<4x1x1xi32>
    %convert_element_type3A_601 = arith.sitofp %convert_element_type3A_600 : vector<4x1x1xi32> to vector<4x1x1xf32>
    %reshape3A_602 = vector.shape_cast %convert_element_type3A_601 : vector<4x1x1xf32> to vector<4x1xf32>
    %swap3A_603 = arith.constant 0 : index
    %swap3A_604 = arith.constant 19 : index
    %swap3A_605 = vector.load %arg3[%swap3A_603, %swap3A_604] : memref<4x32xf32, #tpu.memory_space<vmem>>, vector<4x1xf32>
    tpu.vector_store %arg3[%swap3A_603, %swap3A_604], %reshape3A_602 {strides = array<i32>} : memref<4x32xf32, #tpu.memory_space<vmem>>, vector<4x1xf32>,
    %eq3A_606 = vector.broadcast %broadcast_in_dim3A_591 : vector<4x1x1xi32> to vector<4x8x1024xi32>
    %eq3A_607 = arith.cmpi eq, %add3A, %eq3A_606 : vector<4x8x1024xi32>
    %jit3A_608 = arith.constant -2147483648 : i32
    %broadcast_in_dim3A_609 = vector.broadcast %jit3A_608 : i32 to vector<4x8x1024xi32>
    %select_n3A_610 = arith.select %eq3A_607, %broadcast_in_dim3A_609, %select_n3A_580 : vector<4x8x1024xi1>, vector<4x8x1024xi32>
    %reduce_max3A_611 = arith.constant dense<-2147483648> : vector<4xi32>
    %reduce_max3A_612 = vector.multi_reduction <maxsi>, %select_n3A_610, %reduce_max3A_611 [1, 2] : vector<4x8x1024xi32> to vector<4xi32>
    %broadcast_in_dim3A_613 = vector.shape_cast %reduce_max3A_612 : vector<4xi32> to vector<4x1x1xi32>
    %eq3A_614 = vector.broadcast %broadcast_in_dim3A_613 : vector<4x1x1xi32> to vector<4x8x1024xi32>
    %eq3A_615 = arith.cmpi eq, %select_n3A_610, %eq3A_614 : vector<4x8x1024xi32>
    %jit3A_616 = arith.constant 8192 : i32
    %broadcast_in_dim3A_617 = vector.broadcast %jit3A_616 : i32 to vector<4x8x1024xi32>
    %select_n3A_618 = arith.select %eq3A_615, %add3A, %broadcast_in_dim3A_617 : vector<4x8x1024xi1>, vector<4x8x1024xi32>
    %reduce_min3A_619 = arith.constant dense<2147483647> : vector<4xi32>
    %reduce_min3A_620 = vector.multi_reduction <minsi>, %select_n3A_618, %reduce_min3A_619 [1, 2] : vector<4x8x1024xi32> to vector<4xi32>
    %broadcast_in_dim3A_621 = vector.shape_cast %reduce_min3A_620 : vector<4xi32> to vector<4x1x1xi32>
    %reshape3A_622 = vector.shape_cast %broadcast_in_dim3A_621 : vector<4x1x1xi32> to vector<4x1xi32>
    %add3A_623 = arith.addi %reshape3A_622, %mul3A_6 : vector<4x1xi32>
    %swap3A_624 = arith.constant 0 : index
    %swap3A_625 = arith.constant 20 : index
    %swap3A_626 = vector.load %arg2[%swap3A_624, %swap3A_625] : memref<4x32xi32, #tpu.memory_space<vmem>>, vector<4x1xi32>
    tpu.vector_store %arg2[%swap3A_624, %swap3A_625], %add3A_623 {strides = array<i32>} : memref<4x32xi32, #tpu.memory_space<vmem>>, vector<4x1xi32>,
    %gt3A_627 = arith.constant -2139095041 : i32
    %gt3A_628 = vector.broadcast %gt3A_627 : i32 to vector<4x1x1xi32>
    %gt3A_629 = arith.cmpi sgt, %broadcast_in_dim3A_613, %gt3A_628 : vector<4x1x1xi32>
    %convert_element_type3A_630 = arith.extui %gt3A_629 : vector<4x1x1xi1> to vector<4x1x1xi32>
    %convert_element_type3A_631 = arith.sitofp %convert_element_type3A_630 : vector<4x1x1xi32> to vector<4x1x1xf32>
    %reshape3A_632 = vector.shape_cast %convert_element_type3A_631 : vector<4x1x1xf32> to vector<4x1xf32>
    %swap3A_633 = arith.constant 0 : index
    %swap3A_634 = arith.constant 20 : index
    %swap3A_635 = vector.load %arg3[%swap3A_633, %swap3A_634] : memref<4x32xf32, #tpu.memory_space<vmem>>, vector<4x1xf32>
    tpu.vector_store %arg3[%swap3A_633, %swap3A_634], %reshape3A_632 {strides = array<i32>} : memref<4x32xf32, #tpu.memory_space<vmem>>, vector<4x1xf32>,
    %eq3A_636 = vector.broadcast %broadcast_in_dim3A_621 : vector<4x1x1xi32> to vector<4x8x1024xi32>
    %eq3A_637 = arith.cmpi eq, %add3A, %eq3A_636 : vector<4x8x1024xi32>
    %jit3A_638 = arith.constant -2147483648 : i32
    %broadcast_in_dim3A_639 = vector.broadcast %jit3A_638 : i32 to vector<4x8x1024xi32>
    %select_n3A_640 = arith.select %eq3A_637, %broadcast_in_dim3A_639, %select_n3A_610 : vector<4x8x1024xi1>, vector<4x8x1024xi32>
    %reduce_max3A_641 = arith.constant dense<-2147483648> : vector<4xi32>
    %reduce_max3A_642 = vector.multi_reduction <maxsi>, %select_n3A_640, %reduce_max3A_641 [1, 2] : vector<4x8x1024xi32> to vector<4xi32>
    %broadcast_in_dim3A_643 = vector.shape_cast %reduce_max3A_642 : vector<4xi32> to vector<4x1x1xi32>
    %eq3A_644 = vector.broadcast %broadcast_in_dim3A_643 : vector<4x1x1xi32> to vector<4x8x1024xi32>
    %eq3A_645 = arith.cmpi eq, %select_n3A_640, %eq3A_644 : vector<4x8x1024xi32>
    %jit3A_646 = arith.constant 8192 : i32
    %broadcast_in_dim3A_647 = vector.broadcast %jit3A_646 : i32 to vector<4x8x1024xi32>
    %select_n3A_648 = arith.select %eq3A_645, %add3A, %broadcast_in_dim3A_647 : vector<4x8x1024xi1>, vector<4x8x1024xi32>
    %reduce_min3A_649 = arith.constant dense<2147483647> : vector<4xi32>
    %reduce_min3A_650 = vector.multi_reduction <minsi>, %select_n3A_648, %reduce_min3A_649 [1, 2] : vector<4x8x1024xi32> to vector<4xi32>
    %broadcast_in_dim3A_651 = vector.shape_cast %reduce_min3A_650 : vector<4xi32> to vector<4x1x1xi32>
    %reshape3A_652 = vector.shape_cast %broadcast_in_dim3A_651 : vector<4x1x1xi32> to vector<4x1xi32>
    %add3A_653 = arith.addi %reshape3A_652, %mul3A_6 : vector<4x1xi32>
    %swap3A_654 = arith.constant 0 : index
    %swap3A_655 = arith.constant 21 : index
    %swap3A_656 = vector.load %arg2[%swap3A_654, %swap3A_655] : memref<4x32xi32, #tpu.memory_space<vmem>>, vector<4x1xi32>
    tpu.vector_store %arg2[%swap3A_654, %swap3A_655], %add3A_653 {strides = array<i32>} : memref<4x32xi32, #tpu.memory_space<vmem>>, vector<4x1xi32>,
    %gt3A_657 = arith.constant -2139095041 : i32
    %gt3A_658 = vector.broadcast %gt3A_657 : i32 to vector<4x1x1xi32>
    %gt3A_659 = arith.cmpi sgt, %broadcast_in_dim3A_643, %gt3A_658 : vector<4x1x1xi32>
    %convert_element_type3A_660 = arith.extui %gt3A_659 : vector<4x1x1xi1> to vector<4x1x1xi32>
    %convert_element_type3A_661 = arith.sitofp %convert_element_type3A_660 : vector<4x1x1xi32> to vector<4x1x1xf32>
    %reshape3A_662 = vector.shape_cast %convert_element_type3A_661 : vector<4x1x1xf32> to vector<4x1xf32>
    %swap3A_663 = arith.constant 0 : index
    %swap3A_664 = arith.constant 21 : index
    %swap3A_665 = vector.load %arg3[%swap3A_663, %swap3A_664] : memref<4x32xf32, #tpu.memory_space<vmem>>, vector<4x1xf32>
    tpu.vector_store %arg3[%swap3A_663, %swap3A_664], %reshape3A_662 {strides = array<i32>} : memref<4x32xf32, #tpu.memory_space<vmem>>, vector<4x1xf32>,
    %eq3A_666 = vector.broadcast %broadcast_in_dim3A_651 : vector<4x1x1xi32> to vector<4x8x1024xi32>
    %eq3A_667 = arith.cmpi eq, %add3A, %eq3A_666 : vector<4x8x1024xi32>
    %jit3A_668 = arith.constant -2147483648 : i32
    %broadcast_in_dim3A_669 = vector.broadcast %jit3A_668 : i32 to vector<4x8x1024xi32>
    %select_n3A_670 = arith.select %eq3A_667, %broadcast_in_dim3A_669, %select_n3A_640 : vector<4x8x1024xi1>, vector<4x8x1024xi32>
    %reduce_max3A_671 = arith.constant dense<-2147483648> : vector<4xi32>
    %reduce_max3A_672 = vector.multi_reduction <maxsi>, %select_n3A_670, %reduce_max3A_671 [1, 2] : vector<4x8x1024xi32> to vector<4xi32>
    %broadcast_in_dim3A_673 = vector.shape_cast %reduce_max3A_672 : vector<4xi32> to vector<4x1x1xi32>
    %eq3A_674 = vector.broadcast %broadcast_in_dim3A_673 : vector<4x1x1xi32> to vector<4x8x1024xi32>
    %eq3A_675 = arith.cmpi eq, %select_n3A_670, %eq3A_674 : vector<4x8x1024xi32>
    %jit3A_676 = arith.constant 8192 : i32
    %broadcast_in_dim3A_677 = vector.broadcast %jit3A_676 : i32 to vector<4x8x1024xi32>
    %select_n3A_678 = arith.select %eq3A_675, %add3A, %broadcast_in_dim3A_677 : vector<4x8x1024xi1>, vector<4x8x1024xi32>
    %reduce_min3A_679 = arith.constant dense<2147483647> : vector<4xi32>
    %reduce_min3A_680 = vector.multi_reduction <minsi>, %select_n3A_678, %reduce_min3A_679 [1, 2] : vector<4x8x1024xi32> to vector<4xi32>
    %broadcast_in_dim3A_681 = vector.shape_cast %reduce_min3A_680 : vector<4xi32> to vector<4x1x1xi32>
    %reshape3A_682 = vector.shape_cast %broadcast_in_dim3A_681 : vector<4x1x1xi32> to vector<4x1xi32>
    %add3A_683 = arith.addi %reshape3A_682, %mul3A_6 : vector<4x1xi32>
    %swap3A_684 = arith.constant 0 : index
    %swap3A_685 = arith.constant 22 : index
    %swap3A_686 = vector.load %arg2[%swap3A_684, %swap3A_685] : memref<4x32xi32, #tpu.memory_space<vmem>>, vector<4x1xi32>
    tpu.vector_store %arg2[%swap3A_684, %swap3A_685], %add3A_683 {strides = array<i32>} : memref<4x32xi32, #tpu.memory_space<vmem>>, vector<4x1xi32>,
    %gt3A_687 = arith.constant -2139095041 : i32
    %gt3A_688 = vector.broadcast %gt3A_687 : i32 to vector<4x1x1xi32>
    %gt3A_689 = arith.cmpi sgt, %broadcast_in_dim3A_673, %gt3A_688 : vector<4x1x1xi32>
    %convert_element_type3A_690 = arith.extui %gt3A_689 : vector<4x1x1xi1> to vector<4x1x1xi32>
    %convert_element_type3A_691 = arith.sitofp %convert_element_type3A_690 : vector<4x1x1xi32> to vector<4x1x1xf32>
    %reshape3A_692 = vector.shape_cast %convert_element_type3A_691 : vector<4x1x1xf32> to vector<4x1xf32>
    %swap3A_693 = arith.constant 0 : index
    %swap3A_694 = arith.constant 22 : index
    %swap3A_695 = vector.load %arg3[%swap3A_693, %swap3A_694] : memref<4x32xf32, #tpu.memory_space<vmem>>, vector<4x1xf32>
    tpu.vector_store %arg3[%swap3A_693, %swap3A_694], %reshape3A_692 {strides = array<i32>} : memref<4x32xf32, #tpu.memory_space<vmem>>, vector<4x1xf32>,
    %eq3A_696 = vector.broadcast %broadcast_in_dim3A_681 : vector<4x1x1xi32> to vector<4x8x1024xi32>
    %eq3A_697 = arith.cmpi eq, %add3A, %eq3A_696 : vector<4x8x1024xi32>
    %jit3A_698 = arith.constant -2147483648 : i32
    %broadcast_in_dim3A_699 = vector.broadcast %jit3A_698 : i32 to vector<4x8x1024xi32>
    %select_n3A_700 = arith.select %eq3A_697, %broadcast_in_dim3A_699, %select_n3A_670 : vector<4x8x1024xi1>, vector<4x8x1024xi32>
    %reduce_max3A_701 = arith.constant dense<-2147483648> : vector<4xi32>
    %reduce_max3A_702 = vector.multi_reduction <maxsi>, %select_n3A_700, %reduce_max3A_701 [1, 2] : vector<4x8x1024xi32> to vector<4xi32>
    %broadcast_in_dim3A_703 = vector.shape_cast %reduce_max3A_702 : vector<4xi32> to vector<4x1x1xi32>
    %eq3A_704 = vector.broadcast %broadcast_in_dim3A_703 : vector<4x1x1xi32> to vector<4x8x1024xi32>
    %eq3A_705 = arith.cmpi eq, %select_n3A_700, %eq3A_704 : vector<4x8x1024xi32>
    %jit3A_706 = arith.constant 8192 : i32
    %broadcast_in_dim3A_707 = vector.broadcast %jit3A_706 : i32 to vector<4x8x1024xi32>
    %select_n3A_708 = arith.select %eq3A_705, %add3A, %broadcast_in_dim3A_707 : vector<4x8x1024xi1>, vector<4x8x1024xi32>
    %reduce_min3A_709 = arith.constant dense<2147483647> : vector<4xi32>
    %reduce_min3A_710 = vector.multi_reduction <minsi>, %select_n3A_708, %reduce_min3A_709 [1, 2] : vector<4x8x1024xi32> to vector<4xi32>
    %broadcast_in_dim3A_711 = vector.shape_cast %reduce_min3A_710 : vector<4xi32> to vector<4x1x1xi32>
    %reshape3A_712 = vector.shape_cast %broadcast_in_dim3A_711 : vector<4x1x1xi32> to vector<4x1xi32>
    %add3A_713 = arith.addi %reshape3A_712, %mul3A_6 : vector<4x1xi32>
    %swap3A_714 = arith.constant 0 : index
    %swap3A_715 = arith.constant 23 : index
    %swap3A_716 = vector.load %arg2[%swap3A_714, %swap3A_715] : memref<4x32xi32, #tpu.memory_space<vmem>>, vector<4x1xi32>
    tpu.vector_store %arg2[%swap3A_714, %swap3A_715], %add3A_713 {strides = array<i32>} : memref<4x32xi32, #tpu.memory_space<vmem>>, vector<4x1xi32>,
    %gt3A_717 = arith.constant -2139095041 : i32
    %gt3A_718 = vector.broadcast %gt3A_717 : i32 to vector<4x1x1xi32>
    %gt3A_719 = arith.cmpi sgt, %broadcast_in_dim3A_703, %gt3A_718 : vector<4x1x1xi32>
    %convert_element_type3A_720 = arith.extui %gt3A_719 : vector<4x1x1xi1> to vector<4x1x1xi32>
    %convert_element_type3A_721 = arith.sitofp %convert_element_type3A_720 : vector<4x1x1xi32> to vector<4x1x1xf32>
    %reshape3A_722 = vector.shape_cast %convert_element_type3A_721 : vector<4x1x1xf32> to vector<4x1xf32>
    %swap3A_723 = arith.constant 0 : index
    %swap3A_724 = arith.constant 23 : index
    %swap3A_725 = vector.load %arg3[%swap3A_723, %swap3A_724] : memref<4x32xf32, #tpu.memory_space<vmem>>, vector<4x1xf32>
    tpu.vector_store %arg3[%swap3A_723, %swap3A_724], %reshape3A_722 {strides = array<i32>} : memref<4x32xf32, #tpu.memory_space<vmem>>, vector<4x1xf32>,
    %eq3A_726 = vector.broadcast %broadcast_in_dim3A_711 : vector<4x1x1xi32> to vector<4x8x1024xi32>
    %eq3A_727 = arith.cmpi eq, %add3A, %eq3A_726 : vector<4x8x1024xi32>
    %jit3A_728 = arith.constant -2147483648 : i32
    %broadcast_in_dim3A_729 = vector.broadcast %jit3A_728 : i32 to vector<4x8x1024xi32>
    %select_n3A_730 = arith.select %eq3A_727, %broadcast_in_dim3A_729, %select_n3A_700 : vector<4x8x1024xi1>, vector<4x8x1024xi32>
    %reduce_max3A_731 = arith.constant dense<-2147483648> : vector<4xi32>
    %reduce_max3A_732 = vector.multi_reduction <maxsi>, %select_n3A_730, %reduce_max3A_731 [1, 2] : vector<4x8x1024xi32> to vector<4xi32>
    %broadcast_in_dim3A_733 = vector.shape_cast %reduce_max3A_732 : vector<4xi32> to vector<4x1x1xi32>
    %eq3A_734 = vector.broadcast %broadcast_in_dim3A_733 : vector<4x1x1xi32> to vector<4x8x1024xi32>
    %eq3A_735 = arith.cmpi eq, %select_n3A_730, %eq3A_734 : vector<4x8x1024xi32>
    %jit3A_736 = arith.constant 8192 : i32
    %broadcast_in_dim3A_737 = vector.broadcast %jit3A_736 : i32 to vector<4x8x1024xi32>
    %select_n3A_738 = arith.select %eq3A_735, %add3A, %broadcast_in_dim3A_737 : vector<4x8x1024xi1>, vector<4x8x1024xi32>
    %reduce_min3A_739 = arith.constant dense<2147483647> : vector<4xi32>
    %reduce_min3A_740 = vector.multi_reduction <minsi>, %select_n3A_738, %reduce_min3A_739 [1, 2] : vector<4x8x1024xi32> to vector<4xi32>
    %broadcast_in_dim3A_741 = vector.shape_cast %reduce_min3A_740 : vector<4xi32> to vector<4x1x1xi32>
    %reshape3A_742 = vector.shape_cast %broadcast_in_dim3A_741 : vector<4x1x1xi32> to vector<4x1xi32>
    %add3A_743 = arith.addi %reshape3A_742, %mul3A_6 : vector<4x1xi32>
    %swap3A_744 = arith.constant 0 : index
    %swap3A_745 = arith.constant 24 : index
    %swap3A_746 = vector.load %arg2[%swap3A_744, %swap3A_745] : memref<4x32xi32, #tpu.memory_space<vmem>>, vector<4x1xi32>
    tpu.vector_store %arg2[%swap3A_744, %swap3A_745], %add3A_743 {strides = array<i32>} : memref<4x32xi32, #tpu.memory_space<vmem>>, vector<4x1xi32>,
    %gt3A_747 = arith.constant -2139095041 : i32
    %gt3A_748 = vector.broadcast %gt3A_747 : i32 to vector<4x1x1xi32>
    %gt3A_749 = arith.cmpi sgt, %broadcast_in_dim3A_733, %gt3A_748 : vector<4x1x1xi32>
    %convert_element_type3A_750 = arith.extui %gt3A_749 : vector<4x1x1xi1> to vector<4x1x1xi32>
    %convert_element_type3A_751 = arith.sitofp %convert_element_type3A_750 : vector<4x1x1xi32> to vector<4x1x1xf32>
    %reshape3A_752 = vector.shape_cast %convert_element_type3A_751 : vector<4x1x1xf32> to vector<4x1xf32>
    %swap3A_753 = arith.constant 0 : index
    %swap3A_754 = arith.constant 24 : index
    %swap3A_755 = vector.load %arg3[%swap3A_753, %swap3A_754] : memref<4x32xf32, #tpu.memory_space<vmem>>, vector<4x1xf32>
    tpu.vector_store %arg3[%swap3A_753, %swap3A_754], %reshape3A_752 {strides = array<i32>} : memref<4x32xf32, #tpu.memory_space<vmem>>, vector<4x1xf32>,
    %eq3A_756 = vector.broadcast %broadcast_in_dim3A_741 : vector<4x1x1xi32> to vector<4x8x1024xi32>
    %eq3A_757 = arith.cmpi eq, %add3A, %eq3A_756 : vector<4x8x1024xi32>
    %jit3A_758 = arith.constant -2147483648 : i32
    %broadcast_in_dim3A_759 = vector.broadcast %jit3A_758 : i32 to vector<4x8x1024xi32>
    %select_n3A_760 = arith.select %eq3A_757, %broadcast_in_dim3A_759, %select_n3A_730 : vector<4x8x1024xi1>, vector<4x8x1024xi32>
    %reduce_max3A_761 = arith.constant dense<-2147483648> : vector<4xi32>
    %reduce_max3A_762 = vector.multi_reduction <maxsi>, %select_n3A_760, %reduce_max3A_761 [1, 2] : vector<4x8x1024xi32> to vector<4xi32>
    %broadcast_in_dim3A_763 = vector.shape_cast %reduce_max3A_762 : vector<4xi32> to vector<4x1x1xi32>
    %eq3A_764 = vector.broadcast %broadcast_in_dim3A_763 : vector<4x1x1xi32> to vector<4x8x1024xi32>
    %eq3A_765 = arith.cmpi eq, %select_n3A_760, %eq3A_764 : vector<4x8x1024xi32>
    %jit3A_766 = arith.constant 8192 : i32
    %broadcast_in_dim3A_767 = vector.broadcast %jit3A_766 : i32 to vector<4x8x1024xi32>
    %select_n3A_768 = arith.select %eq3A_765, %add3A, %broadcast_in_dim3A_767 : vector<4x8x1024xi1>, vector<4x8x1024xi32>
    %reduce_min3A_769 = arith.constant dense<2147483647> : vector<4xi32>
    %reduce_min3A_770 = vector.multi_reduction <minsi>, %select_n3A_768, %reduce_min3A_769 [1, 2] : vector<4x8x1024xi32> to vector<4xi32>
    %broadcast_in_dim3A_771 = vector.shape_cast %reduce_min3A_770 : vector<4xi32> to vector<4x1x1xi32>
    %reshape3A_772 = vector.shape_cast %broadcast_in_dim3A_771 : vector<4x1x1xi32> to vector<4x1xi32>
    %add3A_773 = arith.addi %reshape3A_772, %mul3A_6 : vector<4x1xi32>
    %swap3A_774 = arith.constant 0 : index
    %swap3A_775 = arith.constant 25 : index
    %swap3A_776 = vector.load %arg2[%swap3A_774, %swap3A_775] : memref<4x32xi32, #tpu.memory_space<vmem>>, vector<4x1xi32>
    tpu.vector_store %arg2[%swap3A_774, %swap3A_775], %add3A_773 {strides = array<i32>} : memref<4x32xi32, #tpu.memory_space<vmem>>, vector<4x1xi32>,
    %gt3A_777 = arith.constant -2139095041 : i32
    %gt3A_778 = vector.broadcast %gt3A_777 : i32 to vector<4x1x1xi32>
    %gt3A_779 = arith.cmpi sgt, %broadcast_in_dim3A_763, %gt3A_778 : vector<4x1x1xi32>
    %convert_element_type3A_780 = arith.extui %gt3A_779 : vector<4x1x1xi1> to vector<4x1x1xi32>
    %convert_element_type3A_781 = arith.sitofp %convert_element_type3A_780 : vector<4x1x1xi32> to vector<4x1x1xf32>
    %reshape3A_782 = vector.shape_cast %convert_element_type3A_781 : vector<4x1x1xf32> to vector<4x1xf32>
    %swap3A_783 = arith.constant 0 : index
    %swap3A_784 = arith.constant 25 : index
    %swap3A_785 = vector.load %arg3[%swap3A_783, %swap3A_784] : memref<4x32xf32, #tpu.memory_space<vmem>>, vector<4x1xf32>
    tpu.vector_store %arg3[%swap3A_783, %swap3A_784], %reshape3A_782 {strides = array<i32>} : memref<4x32xf32, #tpu.memory_space<vmem>>, vector<4x1xf32>,
    %eq3A_786 = vector.broadcast %broadcast_in_dim3A_771 : vector<4x1x1xi32> to vector<4x8x1024xi32>
    %eq3A_787 = arith.cmpi eq, %add3A, %eq3A_786 : vector<4x8x1024xi32>
    %jit3A_788 = arith.constant -2147483648 : i32
    %broadcast_in_dim3A_789 = vector.broadcast %jit3A_788 : i32 to vector<4x8x1024xi32>
    %select_n3A_790 = arith.select %eq3A_787, %broadcast_in_dim3A_789, %select_n3A_760 : vector<4x8x1024xi1>, vector<4x8x1024xi32>
    %reduce_max3A_791 = arith.constant dense<-2147483648> : vector<4xi32>
    %reduce_max3A_792 = vector.multi_reduction <maxsi>, %select_n3A_790, %reduce_max3A_791 [1, 2] : vector<4x8x1024xi32> to vector<4xi32>
    %broadcast_in_dim3A_793 = vector.shape_cast %reduce_max3A_792 : vector<4xi32> to vector<4x1x1xi32>
    %eq3A_794 = vector.broadcast %broadcast_in_dim3A_793 : vector<4x1x1xi32> to vector<4x8x1024xi32>
    %eq3A_795 = arith.cmpi eq, %select_n3A_790, %eq3A_794 : vector<4x8x1024xi32>
    %jit3A_796 = arith.constant 8192 : i32
    %broadcast_in_dim3A_797 = vector.broadcast %jit3A_796 : i32 to vector<4x8x1024xi32>
    %select_n3A_798 = arith.select %eq3A_795, %add3A, %broadcast_in_dim3A_797 : vector<4x8x1024xi1>, vector<4x8x1024xi32>
    %reduce_min3A_799 = arith.constant dense<2147483647> : vector<4xi32>
    %reduce_min3A_800 = vector.multi_reduction <minsi>, %select_n3A_798, %reduce_min3A_799 [1, 2] : vector<4x8x1024xi32> to vector<4xi32>
    %broadcast_in_dim3A_801 = vector.shape_cast %reduce_min3A_800 : vector<4xi32> to vector<4x1x1xi32>
    %reshape3A_802 = vector.shape_cast %broadcast_in_dim3A_801 : vector<4x1x1xi32> to vector<4x1xi32>
    %add3A_803 = arith.addi %reshape3A_802, %mul3A_6 : vector<4x1xi32>
    %swap3A_804 = arith.constant 0 : index
    %swap3A_805 = arith.constant 26 : index
    %swap3A_806 = vector.load %arg2[%swap3A_804, %swap3A_805] : memref<4x32xi32, #tpu.memory_space<vmem>>, vector<4x1xi32>
    tpu.vector_store %arg2[%swap3A_804, %swap3A_805], %add3A_803 {strides = array<i32>} : memref<4x32xi32, #tpu.memory_space<vmem>>, vector<4x1xi32>,
    %gt3A_807 = arith.constant -2139095041 : i32
    %gt3A_808 = vector.broadcast %gt3A_807 : i32 to vector<4x1x1xi32>
    %gt3A_809 = arith.cmpi sgt, %broadcast_in_dim3A_793, %gt3A_808 : vector<4x1x1xi32>
    %convert_element_type3A_810 = arith.extui %gt3A_809 : vector<4x1x1xi1> to vector<4x1x1xi32>
    %convert_element_type3A_811 = arith.sitofp %convert_element_type3A_810 : vector<4x1x1xi32> to vector<4x1x1xf32>
    %reshape3A_812 = vector.shape_cast %convert_element_type3A_811 : vector<4x1x1xf32> to vector<4x1xf32>
    %swap3A_813 = arith.constant 0 : index
    %swap3A_814 = arith.constant 26 : index
    %swap3A_815 = vector.load %arg3[%swap3A_813, %swap3A_814] : memref<4x32xf32, #tpu.memory_space<vmem>>, vector<4x1xf32>
    tpu.vector_store %arg3[%swap3A_813, %swap3A_814], %reshape3A_812 {strides = array<i32>} : memref<4x32xf32, #tpu.memory_space<vmem>>, vector<4x1xf32>,
    %eq3A_816 = vector.broadcast %broadcast_in_dim3A_801 : vector<4x1x1xi32> to vector<4x8x1024xi32>
    %eq3A_817 = arith.cmpi eq, %add3A, %eq3A_816 : vector<4x8x1024xi32>
    %jit3A_818 = arith.constant -2147483648 : i32
    %broadcast_in_dim3A_819 = vector.broadcast %jit3A_818 : i32 to vector<4x8x1024xi32>
    %select_n3A_820 = arith.select %eq3A_817, %broadcast_in_dim3A_819, %select_n3A_790 : vector<4x8x1024xi1>, vector<4x8x1024xi32>
    %reduce_max3A_821 = arith.constant dense<-2147483648> : vector<4xi32>
    %reduce_max3A_822 = vector.multi_reduction <maxsi>, %select_n3A_820, %reduce_max3A_821 [1, 2] : vector<4x8x1024xi32> to vector<4xi32>
    %broadcast_in_dim3A_823 = vector.shape_cast %reduce_max3A_822 : vector<4xi32> to vector<4x1x1xi32>
    %eq3A_824 = vector.broadcast %broadcast_in_dim3A_823 : vector<4x1x1xi32> to vector<4x8x1024xi32>
    %eq3A_825 = arith.cmpi eq, %select_n3A_820, %eq3A_824 : vector<4x8x1024xi32>
    %jit3A_826 = arith.constant 8192 : i32
    %broadcast_in_dim3A_827 = vector.broadcast %jit3A_826 : i32 to vector<4x8x1024xi32>
    %select_n3A_828 = arith.select %eq3A_825, %add3A, %broadcast_in_dim3A_827 : vector<4x8x1024xi1>, vector<4x8x1024xi32>
    %reduce_min3A_829 = arith.constant dense<2147483647> : vector<4xi32>
    %reduce_min3A_830 = vector.multi_reduction <minsi>, %select_n3A_828, %reduce_min3A_829 [1, 2] : vector<4x8x1024xi32> to vector<4xi32>
    %broadcast_in_dim3A_831 = vector.shape_cast %reduce_min3A_830 : vector<4xi32> to vector<4x1x1xi32>
    %reshape3A_832 = vector.shape_cast %broadcast_in_dim3A_831 : vector<4x1x1xi32> to vector<4x1xi32>
    %add3A_833 = arith.addi %reshape3A_832, %mul3A_6 : vector<4x1xi32>
    %swap3A_834 = arith.constant 0 : index
    %swap3A_835 = arith.constant 27 : index
    %swap3A_836 = vector.load %arg2[%swap3A_834, %swap3A_835] : memref<4x32xi32, #tpu.memory_space<vmem>>, vector<4x1xi32>
    tpu.vector_store %arg2[%swap3A_834, %swap3A_835], %add3A_833 {strides = array<i32>} : memref<4x32xi32, #tpu.memory_space<vmem>>, vector<4x1xi32>,
    %gt3A_837 = arith.constant -2139095041 : i32
    %gt3A_838 = vector.broadcast %gt3A_837 : i32 to vector<4x1x1xi32>
    %gt3A_839 = arith.cmpi sgt, %broadcast_in_dim3A_823, %gt3A_838 : vector<4x1x1xi32>
    %convert_element_type3A_840 = arith.extui %gt3A_839 : vector<4x1x1xi1> to vector<4x1x1xi32>
    %convert_element_type3A_841 = arith.sitofp %convert_element_type3A_840 : vector<4x1x1xi32> to vector<4x1x1xf32>
    %reshape3A_842 = vector.shape_cast %convert_element_type3A_841 : vector<4x1x1xf32> to vector<4x1xf32>
    %swap3A_843 = arith.constant 0 : index
    %swap3A_844 = arith.constant 27 : index
    %swap3A_845 = vector.load %arg3[%swap3A_843, %swap3A_844] : memref<4x32xf32, #tpu.memory_space<vmem>>, vector<4x1xf32>
    tpu.vector_store %arg3[%swap3A_843, %swap3A_844], %reshape3A_842 {strides = array<i32>} : memref<4x32xf32, #tpu.memory_space<vmem>>, vector<4x1xf32>,
    %eq3A_846 = vector.broadcast %broadcast_in_dim3A_831 : vector<4x1x1xi32> to vector<4x8x1024xi32>
    %eq3A_847 = arith.cmpi eq, %add3A, %eq3A_846 : vector<4x8x1024xi32>
    %jit3A_848 = arith.constant -2147483648 : i32
    %broadcast_in_dim3A_849 = vector.broadcast %jit3A_848 : i32 to vector<4x8x1024xi32>
    %select_n3A_850 = arith.select %eq3A_847, %broadcast_in_dim3A_849, %select_n3A_820 : vector<4x8x1024xi1>, vector<4x8x1024xi32>
    %reduce_max3A_851 = arith.constant dense<-2147483648> : vector<4xi32>
    %reduce_max3A_852 = vector.multi_reduction <maxsi>, %select_n3A_850, %reduce_max3A_851 [1, 2] : vector<4x8x1024xi32> to vector<4xi32>
    %broadcast_in_dim3A_853 = vector.shape_cast %reduce_max3A_852 : vector<4xi32> to vector<4x1x1xi32>
    %eq3A_854 = vector.broadcast %broadcast_in_dim3A_853 : vector<4x1x1xi32> to vector<4x8x1024xi32>
    %eq3A_855 = arith.cmpi eq, %select_n3A_850, %eq3A_854 : vector<4x8x1024xi32>
    %jit3A_856 = arith.constant 8192 : i32
    %broadcast_in_dim3A_857 = vector.broadcast %jit3A_856 : i32 to vector<4x8x1024xi32>
    %select_n3A_858 = arith.select %eq3A_855, %add3A, %broadcast_in_dim3A_857 : vector<4x8x1024xi1>, vector<4x8x1024xi32>
    %reduce_min3A_859 = arith.constant dense<2147483647> : vector<4xi32>
    %reduce_min3A_860 = vector.multi_reduction <minsi>, %select_n3A_858, %reduce_min3A_859 [1, 2] : vector<4x8x1024xi32> to vector<4xi32>
    %broadcast_in_dim3A_861 = vector.shape_cast %reduce_min3A_860 : vector<4xi32> to vector<4x1x1xi32>
    %reshape3A_862 = vector.shape_cast %broadcast_in_dim3A_861 : vector<4x1x1xi32> to vector<4x1xi32>
    %add3A_863 = arith.addi %reshape3A_862, %mul3A_6 : vector<4x1xi32>
    %swap3A_864 = arith.constant 0 : index
    %swap3A_865 = arith.constant 28 : index
    %swap3A_866 = vector.load %arg2[%swap3A_864, %swap3A_865] : memref<4x32xi32, #tpu.memory_space<vmem>>, vector<4x1xi32>
    tpu.vector_store %arg2[%swap3A_864, %swap3A_865], %add3A_863 {strides = array<i32>} : memref<4x32xi32, #tpu.memory_space<vmem>>, vector<4x1xi32>,
    %gt3A_867 = arith.constant -2139095041 : i32
    %gt3A_868 = vector.broadcast %gt3A_867 : i32 to vector<4x1x1xi32>
    %gt3A_869 = arith.cmpi sgt, %broadcast_in_dim3A_853, %gt3A_868 : vector<4x1x1xi32>
    %convert_element_type3A_870 = arith.extui %gt3A_869 : vector<4x1x1xi1> to vector<4x1x1xi32>
    %convert_element_type3A_871 = arith.sitofp %convert_element_type3A_870 : vector<4x1x1xi32> to vector<4x1x1xf32>
    %reshape3A_872 = vector.shape_cast %convert_element_type3A_871 : vector<4x1x1xf32> to vector<4x1xf32>
    %swap3A_873 = arith.constant 0 : index
    %swap3A_874 = arith.constant 28 : index
    %swap3A_875 = vector.load %arg3[%swap3A_873, %swap3A_874] : memref<4x32xf32, #tpu.memory_space<vmem>>, vector<4x1xf32>
    tpu.vector_store %arg3[%swap3A_873, %swap3A_874], %reshape3A_872 {strides = array<i32>} : memref<4x32xf32, #tpu.memory_space<vmem>>, vector<4x1xf32>,
    %eq3A_876 = vector.broadcast %broadcast_in_dim3A_861 : vector<4x1x1xi32> to vector<4x8x1024xi32>
    %eq3A_877 = arith.cmpi eq, %add3A, %eq3A_876 : vector<4x8x1024xi32>
    %jit3A_878 = arith.constant -2147483648 : i32
    %broadcast_in_dim3A_879 = vector.broadcast %jit3A_878 : i32 to vector<4x8x1024xi32>
    %select_n3A_880 = arith.select %eq3A_877, %broadcast_in_dim3A_879, %select_n3A_850 : vector<4x8x1024xi1>, vector<4x8x1024xi32>
    %reduce_max3A_881 = arith.constant dense<-2147483648> : vector<4xi32>
    %reduce_max3A_882 = vector.multi_reduction <maxsi>, %select_n3A_880, %reduce_max3A_881 [1, 2] : vector<4x8x1024xi32> to vector<4xi32>
    %broadcast_in_dim3A_883 = vector.shape_cast %reduce_max3A_882 : vector<4xi32> to vector<4x1x1xi32>
    %eq3A_884 = vector.broadcast %broadcast_in_dim3A_883 : vector<4x1x1xi32> to vector<4x8x1024xi32>
    %eq3A_885 = arith.cmpi eq, %select_n3A_880, %eq3A_884 : vector<4x8x1024xi32>
    %jit3A_886 = arith.constant 8192 : i32
    %broadcast_in_dim3A_887 = vector.broadcast %jit3A_886 : i32 to vector<4x8x1024xi32>
    %select_n3A_888 = arith.select %eq3A_885, %add3A, %broadcast_in_dim3A_887 : vector<4x8x1024xi1>, vector<4x8x1024xi32>
    %reduce_min3A_889 = arith.constant dense<2147483647> : vector<4xi32>
    %reduce_min3A_890 = vector.multi_reduction <minsi>, %select_n3A_888, %reduce_min3A_889 [1, 2] : vector<4x8x1024xi32> to vector<4xi32>
    %broadcast_in_dim3A_891 = vector.shape_cast %reduce_min3A_890 : vector<4xi32> to vector<4x1x1xi32>
    %reshape3A_892 = vector.shape_cast %broadcast_in_dim3A_891 : vector<4x1x1xi32> to vector<4x1xi32>
    %add3A_893 = arith.addi %reshape3A_892, %mul3A_6 : vector<4x1xi32>
    %swap3A_894 = arith.constant 0 : index
    %swap3A_895 = arith.constant 29 : index
    %swap3A_896 = vector.load %arg2[%swap3A_894, %swap3A_895] : memref<4x32xi32, #tpu.memory_space<vmem>>, vector<4x1xi32>
    tpu.vector_store %arg2[%swap3A_894, %swap3A_895], %add3A_893 {strides = array<i32>} : memref<4x32xi32, #tpu.memory_space<vmem>>, vector<4x1xi32>,
    %gt3A_897 = arith.constant -2139095041 : i32
    %gt3A_898 = vector.broadcast %gt3A_897 : i32 to vector<4x1x1xi32>
    %gt3A_899 = arith.cmpi sgt, %broadcast_in_dim3A_883, %gt3A_898 : vector<4x1x1xi32>
    %convert_element_type3A_900 = arith.extui %gt3A_899 : vector<4x1x1xi1> to vector<4x1x1xi32>
    %convert_element_type3A_901 = arith.sitofp %convert_element_type3A_900 : vector<4x1x1xi32> to vector<4x1x1xf32>
    %reshape3A_902 = vector.shape_cast %convert_element_type3A_901 : vector<4x1x1xf32> to vector<4x1xf32>
    %swap3A_903 = arith.constant 0 : index
    %swap3A_904 = arith.constant 29 : index
    %swap3A_905 = vector.load %arg3[%swap3A_903, %swap3A_904] : memref<4x32xf32, #tpu.memory_space<vmem>>, vector<4x1xf32>
    tpu.vector_store %arg3[%swap3A_903, %swap3A_904], %reshape3A_902 {strides = array<i32>} : memref<4x32xf32, #tpu.memory_space<vmem>>, vector<4x1xf32>,
    %eq3A_906 = vector.broadcast %broadcast_in_dim3A_891 : vector<4x1x1xi32> to vector<4x8x1024xi32>
    %eq3A_907 = arith.cmpi eq, %add3A, %eq3A_906 : vector<4x8x1024xi32>
    %jit3A_908 = arith.constant -2147483648 : i32
    %broadcast_in_dim3A_909 = vector.broadcast %jit3A_908 : i32 to vector<4x8x1024xi32>
    %select_n3A_910 = arith.select %eq3A_907, %broadcast_in_dim3A_909, %select_n3A_880 : vector<4x8x1024xi1>, vector<4x8x1024xi32>
    %reduce_max3A_911 = arith.constant dense<-2147483648> : vector<4xi32>
    %reduce_max3A_912 = vector.multi_reduction <maxsi>, %select_n3A_910, %reduce_max3A_911 [1, 2] : vector<4x8x1024xi32> to vector<4xi32>
    %broadcast_in_dim3A_913 = vector.shape_cast %reduce_max3A_912 : vector<4xi32> to vector<4x1x1xi32>
    %eq3A_914 = vector.broadcast %broadcast_in_dim3A_913 : vector<4x1x1xi32> to vector<4x8x1024xi32>
    %eq3A_915 = arith.cmpi eq, %select_n3A_910, %eq3A_914 : vector<4x8x1024xi32>
    %jit3A_916 = arith.constant 8192 : i32
    %broadcast_in_dim3A_917 = vector.broadcast %jit3A_916 : i32 to vector<4x8x1024xi32>
    %select_n3A_918 = arith.select %eq3A_915, %add3A, %broadcast_in_dim3A_917 : vector<4x8x1024xi1>, vector<4x8x1024xi32>
    %reduce_min3A_919 = arith.constant dense<2147483647> : vector<4xi32>
    %reduce_min3A_920 = vector.multi_reduction <minsi>, %select_n3A_918, %reduce_min3A_919 [1, 2] : vector<4x8x1024xi32> to vector<4xi32>
    %broadcast_in_dim3A_921 = vector.shape_cast %reduce_min3A_920 : vector<4xi32> to vector<4x1x1xi32>
    %reshape3A_922 = vector.shape_cast %broadcast_in_dim3A_921 : vector<4x1x1xi32> to vector<4x1xi32>
    %add3A_923 = arith.addi %reshape3A_922, %mul3A_6 : vector<4x1xi32>
    %swap3A_924 = arith.constant 0 : index
    %swap3A_925 = arith.constant 30 : index
    %swap3A_926 = vector.load %arg2[%swap3A_924, %swap3A_925] : memref<4x32xi32, #tpu.memory_space<vmem>>, vector<4x1xi32>
    tpu.vector_store %arg2[%swap3A_924, %swap3A_925], %add3A_923 {strides = array<i32>} : memref<4x32xi32, #tpu.memory_space<vmem>>, vector<4x1xi32>,
    %gt3A_927 = arith.constant -2139095041 : i32
    %gt3A_928 = vector.broadcast %gt3A_927 : i32 to vector<4x1x1xi32>
    %gt3A_929 = arith.cmpi sgt, %broadcast_in_dim3A_913, %gt3A_928 : vector<4x1x1xi32>
    %convert_element_type3A_930 = arith.extui %gt3A_929 : vector<4x1x1xi1> to vector<4x1x1xi32>
    %convert_element_type3A_931 = arith.sitofp %convert_element_type3A_930 : vector<4x1x1xi32> to vector<4x1x1xf32>
    %reshape3A_932 = vector.shape_cast %convert_element_type3A_931 : vector<4x1x1xf32> to vector<4x1xf32>
    %swap3A_933 = arith.constant 0 : index
    %swap3A_934 = arith.constant 30 : index
    %swap3A_935 = vector.load %arg3[%swap3A_933, %swap3A_934] : memref<4x32xf32, #tpu.memory_space<vmem>>, vector<4x1xf32>
    tpu.vector_store %arg3[%swap3A_933, %swap3A_934], %reshape3A_932 {strides = array<i32>} : memref<4x32xf32, #tpu.memory_space<vmem>>, vector<4x1xf32>,
    %eq3A_936 = vector.broadcast %broadcast_in_dim3A_921 : vector<4x1x1xi32> to vector<4x8x1024xi32>
    %eq3A_937 = arith.cmpi eq, %add3A, %eq3A_936 : vector<4x8x1024xi32>
    %jit3A_938 = arith.constant -2147483648 : i32
    %broadcast_in_dim3A_939 = vector.broadcast %jit3A_938 : i32 to vector<4x8x1024xi32>
    %select_n3A_940 = arith.select %eq3A_937, %broadcast_in_dim3A_939, %select_n3A_910 : vector<4x8x1024xi1>, vector<4x8x1024xi32>
    %reduce_max3A_941 = arith.constant dense<-2147483648> : vector<4xi32>
    %reduce_max3A_942 = vector.multi_reduction <maxsi>, %select_n3A_940, %reduce_max3A_941 [1, 2] : vector<4x8x1024xi32> to vector<4xi32>
    %broadcast_in_dim3A_943 = vector.shape_cast %reduce_max3A_942 : vector<4xi32> to vector<4x1x1xi32>
    %eq3A_944 = vector.broadcast %broadcast_in_dim3A_943 : vector<4x1x1xi32> to vector<4x8x1024xi32>
    %eq3A_945 = arith.cmpi eq, %select_n3A_940, %eq3A_944 : vector<4x8x1024xi32>
    %jit3A_946 = arith.constant 8192 : i32
    %broadcast_in_dim3A_947 = vector.broadcast %jit3A_946 : i32 to vector<4x8x1024xi32>
    %select_n3A_948 = arith.select %eq3A_945, %add3A, %broadcast_in_dim3A_947 : vector<4x8x1024xi1>, vector<4x8x1024xi32>
    %reduce_min3A_949 = arith.constant dense<2147483647> : vector<4xi32>
    %reduce_min3A_950 = vector.multi_reduction <minsi>, %select_n3A_948, %reduce_min3A_949 [1, 2] : vector<4x8x1024xi32> to vector<4xi32>
    %broadcast_in_dim3A_951 = vector.shape_cast %reduce_min3A_950 : vector<4xi32> to vector<4x1x1xi32>
    %reshape3A_952 = vector.shape_cast %broadcast_in_dim3A_951 : vector<4x1x1xi32> to vector<4x1xi32>
    %add3A_953 = arith.addi %reshape3A_952, %mul3A_6 : vector<4x1xi32>
    %swap3A_954 = arith.constant 0 : index
    %swap3A_955 = arith.constant 31 : index
    %swap3A_956 = vector.load %arg2[%swap3A_954, %swap3A_955] : memref<4x32xi32, #tpu.memory_space<vmem>>, vector<4x1xi32>
    tpu.vector_store %arg2[%swap3A_954, %swap3A_955], %add3A_953 {strides = array<i32>} : memref<4x32xi32, #tpu.memory_space<vmem>>, vector<4x1xi32>,
    %gt3A_957 = arith.constant -2139095041 : i32
    %gt3A_958 = vector.broadcast %gt3A_957 : i32 to vector<4x1x1xi32>
    %gt3A_959 = arith.cmpi sgt, %broadcast_in_dim3A_943, %gt3A_958 : vector<4x1x1xi32>
    %convert_element_type3A_960 = arith.extui %gt3A_959 : vector<4x1x1xi1> to vector<4x1x1xi32>
    %convert_element_type3A_961 = arith.sitofp %convert_element_type3A_960 : vector<4x1x1xi32> to vector<4x1x1xf32>
    %reshape3A_962 = vector.shape_cast %convert_element_type3A_961 : vector<4x1x1xf32> to vector<4x1xf32>
    %swap3A_963 = arith.constant 0 : index
    %swap3A_964 = arith.constant 31 : index
    %swap3A_965 = vector.load %arg3[%swap3A_963, %swap3A_964] : memref<4x32xf32, #tpu.memory_space<vmem>>, vector<4x1xf32>
    tpu.vector_store %arg3[%swap3A_963, %swap3A_964], %reshape3A_962 {strides = array<i32>} : memref<4x32xf32, #tpu.memory_space<vmem>>, vector<4x1xf32>,
    return
  }
}

</mosaic_0001>

<sc_bundles>
// kernel: kernel.6.cloned.1.call-start
scs
__scs_entry_jumppad:
0x0: {  	(pc) =	sbr.rel $0x88, $3  }
0x1: {  	(tag) =	ssettag $0x0;
	lr =	simm.s32 $0x1  }
0x2: {  	[smem:$0x3F95] =	sst lr;
	_ =	strace $0xD0000000  }
0x3: {  	_ = 	snop  }
0x4: {  	_ = 	snop  }
0x5: {  	_ = 	snop  }
0x6: {  	_ = 	snop  }
0x7: {  	_ = 	snop  }
__scs_overlays_trampoline_lowered:
0x8: {  	[smem:$0x3FA4] =	sst s0  }
0x9: {  	[smem:$0x3FA5] =	sst s1  }
0xa: {  	[smem:$0x3FA6] =	sst s2  }
0xb: {  	[smem:$0x3FA7] =	sst s3  }
0xc: {  	[smem:$0x3FA8] =	sst s4  }
0xd: {  	[smem:$0x3FA9] =	sst s5  }
0xe: {  	[smem:$0x3FAA] =	sst s6  }
0xf: {  	[smem:$0x3FAB] =	sst s7  }
0x10: {  	[smem:$0x3FAC] =	sst s8  }
0x11: {  	[smem:$0x3FAD] =	sst s9;
	s0 =	simm.s32 @!p0 $0x0  }
0x12: {  	s1 =	sld [smem:$0x3F93];
	s0 =	simm.s32 @p0 $0x1  }
0x13: {  	[smem:$0x3FAE] =	sst s0;
	s0 =	simm.s32 @!p1 $0x0  }
0x14: {  	s2 =	sld [smem:$0x3F92];
	s0 =	simm.s32 @p1 $0x1  }
0x15: {  	[smem:$0x3FAF] =	sst s0;
	s0 =	simm.s32 @!p2 $0x0  }
0x16: {  	s3 =	sld [smem:$0x3FDB];
	s0 =	simm.s32 @p2 $0x1  }
0x17: {  	s4 =	simm.s32 $0x1BF5;
	[smem:$0x3FB1] =	sst s0  }
0x18: {  	s0 =	sld [smem:$0x3F94];
	_ =	swait.ge [sflag:s4], $0x0  }
0x19: {  	s7 =	sld [smem:$0x3F95]  }
0x1a: {  	s8 =	sadd.s32 $0xFFFFE003, lr  }
0x1b: {  	s9 =	sadd.s32 $0xFFFFFEF7, lr;
	s5 =	simm.s32 $0xFFFFFFFF;
	p2 =	slt.u32 s8, $0xFFFFF086  }
0x1c: {  	p1 =	slt.u32 s9, $0xF7A;
	s5 =	simm.s32 @!p2 $0x0  }
0x1d: {  	s5 =	simm.s32 @p1 $0x1;
	p0 =	seq.s32 s7, s2  }
0x1e: {  	s7 =	smul.u32 @!p0 $0xF7A, s2;
	p2 =	seq.s32 @!p0 s5, $0x0  }
0x1f: {  	s9 =	smul.u32 $0xF7A, s1;
	s8 =	simm.s32 @!p0 $0x1BF5;
	p2 =	por !p2, p0  }
0x20: {  	[sflag:s8] =	ssyncset.s32 @!p0 $0xFFFFF086;
	s6 =	sadd.s32 @!p0 s3, s7;
	s7 =	simm.s32 @!p0 $0x108  }
0x21: {  	s3 =	sadd.s32 s3, s9;
	s6 =	sadd.s32 @!p0 $0x88, s6;
	s7 =	simm.s32 @p2 $0x1082  }
0x22: {  	[simem:s7], [sflag:s8] =	dma.local @!p0 [hbm:s6], $0xF7A  }
0x23: {  	s9 =	sor.u32 $0xD0000000, s2;
	s6 =	simm.s32 $0x108;
	_ =	swait.ge @!p0 [sflag:s8], $0x0  }
0x24: {  	s3 =	sadd.s32 $0x88, s3;
	s6 =	simm.s32 @!p1 $0x1082;
	[sflag:s4] =	ssyncset.s32 $0xFFFFF086  }
0x25: {  	[simem:s6], [sflag:s4] =	dma.local [hbm:s3], $0xF7A  }
0x26: {  	[smem:$0x3F95] =	sst s1;
	(tag) =	ssettag s2;
	_ =	strace s9  }
0x27: {  	s1 =	sld [smem:$0x3FA5]  }
0x28: {  	s2 =	sld [smem:$0x3FA6]  }
0x29: {  	s4 =	sld [smem:$0x3FA8]  }
0x2a: {  	p0 =	seq.s32 s5, $0x0;
	s5 =	sld [smem:$0x3FA9]  }
0x2b: {  	s6 =	sld [smem:$0x3FAA]  }
0x2c: {  	s7 =	sld [smem:$0x3FAB]  }
0x2d: {  	s3 =	simm.s32 $0x108;
	s8 =	sld [smem:$0x3FAC]  }
0x2e: {  	s3 =	simm.s32 @!p0 $0x1082;
	s9 =	sld [smem:$0x3FAD]  }
0x2f: {  	lr =	sadd.s32 s0, s3;
	s0 =	sld [smem:$0x3FA4]  }
0x30: {  	s3 =	sld [smem:$0x3FA7]  }
0x31: {  	[smem:$0x3FB0] =	sst s10  }
0x32: {  	s10 =	sld [smem:$0x3FAE];
	_ =	sdelay $0x3  }
0x33: {  	p0 =	seq.s32 s10, $0x1;
	s10 =	sld [smem:$0x3FB0];
	_ =	sdelay $0x3  }
0x34: {  	[smem:$0x3FB0] =	sst s10  }
0x35: {  	s10 =	sld [smem:$0x3FAF];
	_ =	sdelay $0x3  }
0x36: {  	p1 =	seq.s32 s10, $0x1;
	s10 =	sld [smem:$0x3FB0];
	_ =	sdelay $0x3  }
0x37: {  	[smem:$0x3FB0] =	sst s10  }
0x38: {  	s10 =	sld [smem:$0x3FB1]  }
0x39: {  	_ = 	snop;
	(pc) =	sbr.ind lr, $3  }
0x3a: {  	_ = 	snop  }
0x3b: {  	_ = 	snop  }
0x3c: {  	p2 =	seq.s32 s10, $0x1;
	s10 =	sld [smem:$0x3FB0]  }
0x3d: {  	_ =	shalt  }
0x3e: {  	_ =	shalt  }
0x3f: {  	_ =	shalt  }
0x40: {  	_ =	shalt  }
0x41: {  	_ =	shalt  }
0x42: {  	_ =	shalt  }
0x43: {  	_ =	shalt  }
0x44: {  	_ =	shalt  }
0x45: {  	_ =	shalt  }
0x46: {  	_ =	shalt  }
0x47: {  	_ =	shalt  }
0x48: {  	_ =	shalt  }
0x49: {  	_ =	shalt  }
0x4a: {  	_ =	shalt  }
0x4b: {  	_ =	shalt  }
0x4c: {  	_ =	shalt  }
0x4d: {  	_ =	shalt  }
0x4e: {  	_ =	shalt  }
0x4f: {  	_ =	shalt  }
0x50: {  	_ =	shalt  }
0x51: {  	_ =	shalt  }
0x52: {  	_ =	shalt  }
0x53: {  	_ =	shalt  }
0x54: {  	_ =	shalt  }
0x55: {  	_ =	shalt  }
0x56: {  	_ =	shalt  }
0x57: {  	_ =	shalt  }
0x58: {  	_ =	shalt  }
0x59: {  	_ =	shalt  }
0x5a: {  	_ =	shalt  }
0x5b: {  	_ =	shalt  }
0x5c: {  	_ =	shalt  }
0x5d: {  	_ =	shalt  }
0x5e: {  	_ =	shalt  }
0x5f: {  	_ =	shalt  }
0x60: {  	_ =	shalt  }
0x61: {  	_ =	shalt  }
0x62: {  	_ =	shalt  }
0x63: {  	_ =	shalt  }
0x64: {  	_ =	shalt  }
0x65: {  	_ =	shalt  }
0x66: {  	_ =	shalt  }
0x67: {  	_ =	shalt  }
0x68: {  	_ =	shalt  }
0x69: {  	_ =	shalt  }
0x6a: {  	_ =	shalt  }
0x6b: {  	_ =	shalt  }
0x6c: {  	_ =	shalt  }
0x6d: {  	_ =	shalt  }
0x6e: {  	_ =	shalt  }
0x6f: {  	_ =	shalt  }
0x70: {  	_ =	shalt  }
0x71: {  	_ =	shalt  }
0x72: {  	_ =	shalt  }
0x73: {  	_ =	shalt  }
0x74: {  	_ =	shalt  }
0x75: {  	_ =	shalt  }
0x76: {  	_ =	shalt  }
0x77: {  	_ =	shalt  }
0x78: {  	_ =	shalt  }
0x79: {  	_ =	shalt  }
0x7a: {  	_ =	shalt  }
0x7b: {  	_ =	shalt  }
0x7c: {  	_ =	shalt  }
0x7d: {  	_ =	shalt  }
0x7e: {  	_ =	shalt  }
0x7f: {  	_ =	shalt  }
0x80: {  	_ =	shalt  }
0x81: {  	_ =	shalt  }
0x82: {  	_ =	shalt  }
0x83: {  	_ =	shalt  }
0x84: {  	_ =	shalt  }
0x85: {  	_ =	shalt  }
0x86: {  	_ =	shalt  }
0x87: {  	_ =	shalt  }
.Lfunc_end0:
.L_simem_size_0:
called_computation_lowered:
.L_overlay_start_0:
0x88: {  	s2 =	sld [smem:$0x3FD9]  }
0x89: {  	s3 =	sld [smem:$0x3FFE];
	_ =	sdelay $0x1  }
0x8a: {  	s1 =	srdreg.scid  }
0x8b: {  	s0 =	sand.u32 $0x1, s1  }
0x8c: {  	s14 =	sshll.u32 s0, $0xA;
	s2 =	sadd.s32 s3, s2  }
0x8d: {  	s2 =	sadd.s32 s2, s14  }
0x8e: {  	[smem:$0x3FBC] =	sst s2  }
0x8f: {  	_ = 	snop  }
0x90: {  	s2 =	sld [smem:$0x3FD0];
	_ =	sdelay $0x2  }
0x91: {  	s4 =	simm.s32 $0xA;
	s5 =	simm.s32 $0x10;
	s15 =	sld [smem:$0x3FC9]  }
0x92: {  	[smem:s5], [sflag:s4] =	dma.local [hbm:s2], $0x1  }
0x93: {  	_ =	swait.eq [sflag:s4], $0x1  }
0x94: {  	[sflag:s4] =	ssyncset.done $0x0  }
0x95: {  	[sflag:s4] =	ssyncadd.s32 $0xFFFFFFFF  }
0x96: {  	s16 =	sld [smem:$0x10];
	(tm) =	ssettm $0x1  }
0x97: {  	s17 =	sld [smem:$0x3FFB];
	_ =	sdelay $0x3  }
0x98: {  	_ =	strace s17  }
0x99: {  	s4 =	sld [smem:$0x3FFC];
	_ =	sdelay $0x3  }
0x9a: {  	_ =	strace s4  }
0x9b: {  	s4 =	sld [smem:$0x3FFD];
	_ =	sdelay $0x3  }
0x9c: {  	_ =	strace s4  }
0x9d: {  	_ =	strace $0x8FFFFFFF  }
0x9e: {  	s18 =	sld [smem:$0x3FDB];
	_ =	sdelay $0x1  }
0x9f: {  	s19 =	simm.s32 $_scs_section_size  }
0xa0: {  	s6 =	simm.s32 $_size__tile_overlayer_lowered;
	s7 =	simm.s32 $_tile_overlayer_lowered  }
0xa1: {  	s22 =	simm.s32 $0x1BFF;
	s21 =	sshll.u32 s7, $0x1;
	s4 =	sadd.s32 s19, s18  }
0xa2: {  	s8 =	simm.s32 $0x0;
	s20 =	sshll.u32 s6, $0x1;
	s6 =	sadd.s32 s21, s4  }
0xa3: {  	[timem:s8], [sflag:s22] =	dma.local [hbm:s6], s20  }
0xa4: {  	_ =	swait.ge [sflag:s22], s20  }
0xa5: {  	s5 =	ssub.s32 $0x0, s20;
	[sflag:s22] =	ssyncset.done $0x0  }
0xa6: {  	[sflag:s22] =	ssyncadd.s32 s5;
	_ =	sdelay $0x1  }
0xa7: {  	s23 =	simm.s32 $0x1B8B  }
0xa8: {  	_ =	swait.ge [sflag:s23], $0x1  }
0xa9: {  	[sflag:s23] =	ssyncset.done $0x0  }
0xaa: {  	s25 =	simm.s32 $0x1B8E;
	s24 =	sld [smem:$0x3FFE];
	[sflag:s23] =	ssyncadd.s32 $0xFFFFFFFF  }
0xab: {  	s26 =	simm.s32 $execute0_lowered;
	[smem:$0x3FD2] =	sst s25  }
0xac: {  	s6 =	sshll.u32 s26, $0x1;
	_ =	strace $0x80000046;
	[dreg:$0x1] =	wrdreg $0xFFFFFFFF  }
0xad: {  	s28 =	simm.s32 $_size_execute0_lowered;
	s4 =	sadd.s32 s4, s6;
	[dreg:$0x0] =	wrdreg $0x0  }
0xae: {  	s6 =	sshll.u32 s28, $0x1;
	[dreg:$0x2] =	wrdreg s4  }
0xaf: {  	[dreg:$0x3] =	wrdreg s6  }
0xb0: {  	[dreg:$0x4] =	wrdreg $0xC0  }
0xb1: {  	_ =	task [dreg:s8], $0x5FFFF  }
0xb2: {  	[dreg:$0x1] =	wrdreg $0xFFFFFFFF  }
0xb3: {  	[dreg:$0x0] =	wrdreg $0x60  }
0xb4: {  	[dreg:$0x2] =	wrdreg s15  }
0xb5: {  	[dreg:$0x3] =	wrdreg s16  }
0xb6: {  	[dreg:$0x4] =	wrdreg s24  }
0xb7: {  	[dreg:$0x5] =	wrdreg $0x9  }
0xb8: {  	_ =	task.clear_ibuf [dreg:s8], $0x6FFFF;
	_ =	strace $0x90000046  }
0xb9: {  	s29 =	simm.s32 $0x9;
	_ =	strace $0x80000048  }
0xba: {  	_ =	swait.ge [sflag:s29], $0x1  }
0xbb: {  	[sflag:s29] =	ssyncadd.s32 $0xFFFFFFFF  }
0xbc: {  	_ =	strace $0x90000048  }
0xbd: {  	_ =	sfence  }
0xbe: {  	s30 =	sld [smem:$0x0];
	_ =	sdelay $0x2  }
0xbf: {  	s31 =	sshll.u32 s1, $0xD;
	s1 =	sshrl.u32 s1, $0x2  }
0xc0: {  	s3 =	sand.u32 $0x4000, s31;
	s1 =	sadd.s32 s1, s30  }
0xc1: {  	s0 =	sor.u32 s3, s0;
	s1 =	sshll.u32 s1, $0x11  }
0xc2: {  	s0 =	sor.u32 s1, s0  }
0xc3: {  	s0 =	sadd.s32 $0x8F2B, s0  }
0xc4: {  	[sflag:s0] =	ssyncadd.remote.s32 $0x1  }
0xc5: {  	_ =	sfence.sel $0xFFFF  }
0xc6: {  	[dreg:$0x0] =	wrdreg $0xFFFFFFFF;
	(pc) =	sbr.abs _section_cstart, $3  }
0xc7: {  	[dreg:$0x1] =	wrdreg $0xFFFFFFFF  }
0xc8: {  	_ =	task.clear_ibuf [dreg:s8], $0x2FFFF;
	_ =	strace $0x9FFFFFFF  }
0xc9: {  	(tm) =	ssettm $0x7FFFFFFF  }
tec
execute0_lowered:
.L_overlay_start_1:
0x0: {  	(tag) =	ssettag $0x1  }
0x1: {  	s1 =	stileid.u32  }
0x2: {  	p0 =	sgt.u32 s1, $0x7  }
.Ltmp0:
0x3: {  	s2 =	rddreg [dreg:$0x0];
	(pc) =	sbr.rel @p0 .LBB2_4-.Ltmp0, $4  }
0x4: {  	s4 =	rddreg [dreg:$0x1]  }
0x5: {  	s12 =	rddreg [dreg:$0x2];
	s3 =	simm.s32 $0x0  }
0x6: {  	[smem:$0x7FF] =	sst s3  }
0x7: {  	s0 =	rddreg [dreg:$0x3];
	_ =	strace $0x80000047  }
0x8: {  	s5 =	srdreg.scid  }
0x9: {  	s28 =	sshll.u32 s1, $0x1;
	s6 =	sshll.u32 s1, $0x3;
	s10 =	sand.u32 $0x1, s5  }
0xa: {  	s29 =	sand.u32 $0x30, s6;
	s7 =	sor.u32 s10, s28  }
0xb: {  	s4 =	sadd.s32 s4, s29;
	s30 =	sand.u32 $0x3, s7  }
0xc: {  	s5 =	sadd.s32 s30, s4;
	s4 =	simm.s32 $0x2  }
0xd: {  	[tilespmem:s3], [sflag:$0x2] =	stream.linear.gather [hbm4b:s5+s3], $0x8, $0x38;
	[tilespmem:$0x1880] =	vst v63  }
0xe: {  	_ =	swait.ge [sflag:s4], $0x8  }
0xf: {  	[sflag:s4] =	ssyncset.done $0x0  }
0x10: {  	[sflag:s4] =	ssyncadd.s32 $0xFFFFFFF8  }
0x11: {  	v0 =	vld.msk [tilespmem:$0x0], $0xff;
	_ =	sdelay $0x4  }
0x12: {  	v1 =	vshrl.u32 v0, $0x3  }
0x13: {  	v1 =	vmul.u32 $0x30, v1  }
0x14: {  	v2 =	vlaneseq.u32;
	v3 =	vand.u32 $0x7, v0  }
0x15: {  	v0 =	vand.u32 $0x7, v2;
	v2 =	vshrl.u32 v2, $0x3;
	v3 =	vor.u32 v3, v1  }
0x16: {  	v1 =	vmul.u32 $0x8, v2;
	v2 =	vperm.xlane v3, v0;
	_ =	sdelay $0x1  }
0x17: {  	v2 =	vadd.s32 v1, v2;
	_ =	sdelay $0x2  }
0x18: {  	s8 =	sadd.s32 $0x200, s2;
	s9 =	simm.s32 $0x880;
	s14 =	ssub.s32 $0x2, s10  }
0x19: {  	vm0 =	vmmov $0xffff;
	s11 =	simm.s32 $0x1;
	s6 =	simm.s32 $0x80;
	s15 =	sshrl.u32 s14, $0x1  }
0x1a: {  	[tilespmem:s6], [sflag:$0x1] =	stream.indirect_vreg.gather [hbm4b:s2+s3], $0x80, v2, vm0, $0xb8;
	[tilespmem:$0x1880] =	vst v63  }
0x1b: {  	s13 =	smul.u32 $0x300, s7;
	s7 =	sadd.s32 $0x100, s2;
	s31 =	ssub.s32 s14, s15  }
0x1c: {  	[tilespmem:s9], [sflag:$0x1] =	stream.indirect_vreg.gather [hbm4b:s7+s3], $0x80, v2, vm0, $0xb8;
	[tilespmem:$0x1880] =	vst v63  }
0x1d: {  	s10 =	simm.s32 $0x1080;
	s12 =	sadd.s32 s13, s12;
	s13 =	smax.u32 s31, $0x1  }
0x1e: {  	[tilespmem:s10], [sflag:$0x1] =	stream.indirect_vreg.gather [hbm4b:s8+s3], $0x80, v2, vm0, $0xb8;
	[tilespmem:$0x1880] =	vst v63  }
0x1f: {  	p0 =	sne.s32 s13, $0x1;
	_ =	swait.ge [sflag:s11], $0x1800  }
.Ltmp1:
0x20: {  	[sflag:s11] =	ssyncset.done $0x0;
	(pc) =	sbr.rel @!p0 .LBB2_3-.Ltmp1, $4  }
0x21: {  	s12 =	sadd.s32 $0x1C00, s12;
	[sflag:s11] =	ssyncadd.s32 $0xFFFFE800  }
0x22: {  	[hbm4b:s12+s3] =	stream.linear.scatter [tilespmem:s6], [sflag:$0x2], $0x1800, $0x38;
	[tilespmem:$0x1880] =	vst v63  }
0x23: {  	_ =	swait.ge [sflag:s4], $0x1800  }
0x24: {  	s13 =	sadd.s32 $0xFFFFFFFF, s13;
	[sflag:s4] =	ssyncset.done $0x0  }
.LBB2_2:
0x25: {  	p0 =	sne.s32 s13, $0x1;
	s13 =	sadd.s32 $0xFFFFFFFF, s13;
	[sflag:s4] =	ssyncadd.s32 $0xFFFFE800  }
0x26: {  	[tilespmem:s3], [sflag:$0x2] =	stream.linear.gather [hbm4b:s5+s3], $0x8, $0x38;
	[tilespmem:$0x1880] =	vst v63  }
0x27: {  	_ =	swait.ge [sflag:s4], $0x8  }
0x28: {  	[sflag:s4] =	ssyncset.done $0x0  }
0x29: {  	[sflag:s4] =	ssyncadd.s32 $0xFFFFFFF8  }
0x2a: {  	v2 =	vld.msk [tilespmem:$0x0], $0xff;
	_ =	sdelay $0x4  }
0x2b: {  	v3 =	vshrl.u32 v2, $0x3  }
0x2c: {  	v3 =	vmul.u32 $0x30, v3  }
0x2d: {  	v2 =	vand.u32 $0x7, v2  }
0x2e: {  	v2 =	vor.u32 v2, v3  }
0x2f: {  	v2 =	vperm.xlane v2, v0;
	_ =	sdelay $0x1  }
0x30: {  	v2 =	vadd.s32 v1, v2;
	_ =	sdelay $0x4  }
0x31: {  	[tilespmem:s6], [sflag:$0x1] =	stream.indirect_vreg.gather [hbm4b:s2+s3], $0x80, v2, vm0, $0xb8;
	[tilespmem:$0x1880] =	vst v63  }
0x32: {  	_ = 	snop  }
0x33: {  	[tilespmem:s9], [sflag:$0x1] =	stream.indirect_vreg.gather [hbm4b:s7+s3], $0x80, v2, vm0, $0xb8;
	[tilespmem:$0x1880] =	vst v63  }
0x34: {  	_ = 	snop  }
0x35: {  	[tilespmem:s10], [sflag:$0x1] =	stream.indirect_vreg.gather [hbm4b:s8+s3], $0x80, v2, vm0, $0xb8;
	[tilespmem:$0x1880] =	vst v63  }
0x36: {  	_ =	swait.ge [sflag:s11], $0x1800  }
.Ltmp2:
0x37: {  	[sflag:s11] =	ssyncset.done $0x0;
	(pc) =	sbr.rel @p0 .LBB2_2-.Ltmp2, $4  }
0x38: {  	[sflag:s11] =	ssyncadd.s32 $0xFFFFE800  }
0x39: {  	[hbm4b:s12+s3] =	stream.linear.scatter [tilespmem:s6], [sflag:$0x2], $0x1800, $0x38;
	[tilespmem:$0x1880] =	vst v63  }
0x3a: {  	_ =	swait.ge [sflag:s4], $0x1800  }
0x3b: {  	[sflag:s4] =	ssyncset.done $0x0  }
.LBB2_3:
0x3c: {  	[sflag:s4] =	ssyncadd.s32 $0xFFFFE800  }
.LBB2_4:
0x3d: {  	_ =	sfence.sel $0x180000  }
0x3e: {  	[bflag:$0x0] =	sbarrier.arrive $0xFFFF  }
0x3f: {  	p0 =	sne.s32 s1, $0x0;
	_ =	strace $0x90000047  }
0x40: {  	s0 =	sadd.s32 @!p0 $0x100000, s0;
	[bflag:$0x2] =	sbarrier.arrive $0xFFFF  }
0x41: {  	[sflag:s0] =	ssyncadd.tile.s32 @!p0 $0x1;
	_ =	shalt  }
.Lfunc_end2:
_tile_overlayer_lowered:
.L_overlay_start_2:
0x42: {  	(tag) =	ssettag $0x2  }
0x43: {  	s0 =	rddreg [dreg:$0x0];
	s2 =	stileid.u32  }
0x44: {  	s1 =	rddreg [dreg:$0x1];
	p0 =	sne.s32 s2, $0x0  }
0x45: {  	s3 =	rddreg [dreg:$0x2];
	[bflag:$0x3] =	sbarrier.arrive $0xFFFF;
	s2 =	simm.s32 @!p0 $0x1C02  }
0x46: {  	[timem:s3], [sflag:s2] =	dma.local @!p0 [hbm:s0], s1  }
0x47: {  	s0 =	simm.s32 @!p0 $0x2  }
0x48: {  	_ =	swait.ge @!p0 [sflag:s0], s1  }
0x49: {  	s1 =	ssub.s32 @!p0 $0x0, s1;
	[sflag:s0] =	ssyncset.done @!p0 $0x0  }
0x4a: {  	[sflag:s0] =	ssyncadd.s32 @!p0 s1  }
0x4b: {  	[bflag:$0x3] =	sbarrier.arrive $0xFFFF  }
0x4c: {  	_ =	shalt  }

</sc_bundles>
